<compile_context>
chip_gen: v7x
topology: tpu7x:2x2x1
jax: 0.10.2.dev20260603
libtpu: 0.0.44.dev20260713+nightly
codegen_flags: <defaults>
</compile_context>

<pallas_src>
import jax
import jax.numpy as jnp
from jax import lax
from jax.experimental import pallas as pl
from jax.experimental.pallas import tpu as pltpu
from jax.experimental.pallas import tpu_sc as plsc

_HIDDEN = 768
_NUM_EXPERTS = 8
_D_FF = 1536
_NUM_CLASSES = 10
_H_PH = 32
_DELTA0 = 7.0
_TRAITS = (0.6, 0.6, 0.5, 0.5, 0.4)
_THAL_SCALE = 1.0

_BT = 128
_BTG = 256
_NCW = 128
_NT_G = 16
_NP = _NT_G * _BTG
_CCH = 1024



def _attend_body(proj_ref, feats_ref, Wph_ref, bph_ref, att_ref):
    f32 = jnp.float32
    proj = proj_ref[...]
    tm = jnp.dot(feats_ref[...], Wph_ref[...],
                 preferred_element_type=f32) + bph_ref[...]
    enh = proj + tm
    cols = jax.lax.broadcasted_iota(jnp.int32, (_BT, _HIDDEN), 1)
    m = jnp.max(enh, axis=-1, keepdims=True)
    amax = jnp.min(jnp.where(enh == m, cols, _HIDDEN), axis=-1, keepdims=True)
    att_ref[...] = enh * (1.0 + (cols == amax).astype(f32))


def _routing_body(eidx_ref, wv_ref, p0_ref, p1_ref, w0_ref, w1_ref,
                  te_ref, vt_ref):
    E = _NUM_EXPERTS
    f32 = jnp.float32
    eidx = eidx_ref[...]
    wv = wv_ref[...]
    c0 = eidx[:, 0:1]
    c1 = eidx[:, 1:2]
    w0_ref[...] = wv[:, 0:1]
    w1_ref[...] = wv[:, 1:2]
    Bi = eidx.shape[0]
    cols8 = jax.lax.broadcasted_iota(jnp.int32, (Bi, E), 1)
    oh0 = (cols8 == c0).astype(f32)
    oh1 = (cols8 == c1).astype(f32)
    r_io = jax.lax.broadcasted_iota(jnp.int32, (Bi, Bi), 0)
    c_io = jax.lax.broadcasted_iota(jnp.int32, (Bi, Bi), 1)
    tril = (c_io < r_io).astype(f32)
    cnt01 = jnp.concatenate([oh0, oh1], axis=-1)
    excl = jnp.dot(tril, cnt01, preferred_element_type=f32)
    excl0, excl1 = excl[:, :E], excl[:, E:]
    total0 = jnp.sum(oh0, axis=0, keepdims=True)
    total1 = jnp.sum(oh1, axis=0, keepdims=True)
    counts = total0 + total1
    pc = jnp.floor((counts + (_BTG - 1)) * (1.0 / _BTG)) * float(_BTG)
    e_r = jax.lax.broadcasted_iota(jnp.int32, (E, E), 0)
    e_c = jax.lax.broadcasted_iota(jnp.int32, (E, E), 1)
    triE = (e_r < e_c).astype(f32)
    offs = jnp.dot(pc, triE, preferred_element_type=f32)

    rank0 = jnp.sum(excl0 * oh0, axis=-1, keepdims=True)
    rank1 = jnp.sum((total0 + excl1) * oh1, axis=-1, keepdims=True)
    off0 = jnp.sum(offs * oh0, axis=-1, keepdims=True)
    off1 = jnp.sum(offs * oh1, axis=-1, keepdims=True)
    p0_ref[...] = (off0 + rank0).astype(jnp.int32)
    p1_ref[...] = (off1 + rank1).astype(jnp.int32)

    t_io = (jax.lax.broadcasted_iota(jnp.int32, (_NT_G, E), 0)
            .astype(f32) * float(_BTG))
    offs_b = offs + jnp.zeros((_NT_G, E), f32)
    te = (jnp.sum((offs_b <= t_io).astype(jnp.int32), axis=-1,
                  keepdims=True) - 1)
    te_ref[...] = te
    ohte = (jax.lax.broadcasted_iota(jnp.int32, (_NT_G, E), 1) == te).astype(f32)
    ends = jnp.sum((offs + counts) * ohte, axis=-1, keepdims=True)
    tbase = (jax.lax.broadcasted_iota(jnp.int32, (_NT_G, 1), 0)
             .astype(f32) * float(_BTG))
    vt_ref[...] = jnp.clip(ends - tbase, 0.0, float(_BTG)).astype(jnp.int32)


def _grouped_body(te_ref, vt_ref, xs_ref, W1_ref, b1_ref, W2_ref, b2_ref,
                  Wout_ref, p0_ref, p1_ref, w0_ref, w1_ref, bout_ref,
                  out_ref, W2p_acc, c2_acc, y_acc):
    t = pl.program_id(0)
    E = _NUM_EXPERTS
    f32 = jnp.float32

    @pl.when(t < E)
    def _fold():
        w2p = jnp.dot(W2_ref[0], Wout_ref[...], preferred_element_type=f32)
        W2p_acc[t] = jnp.concatenate(
            [w2p, jnp.zeros((_D_FF, _NCW - _NUM_CLASSES), f32)], axis=-1)
        c2 = jnp.dot(b2_ref[0], Wout_ref[...], preferred_element_type=f32)
        c2_acc[t] = jnp.concatenate(
            [c2, jnp.zeros((1, _NCW - _NUM_CLASSES), f32)], axis=-1)

    @pl.when(jnp.logical_and(t >= E, t < E + _NT_G))
    def _ffn():
        e = te_ref[t - E]
        vt = vt_ref[t - E]
        h = jnp.maximum(jnp.dot(xs_ref[...], W1_ref[0],
                                preferred_element_type=f32) + b1_ref[0], 0.0)
        y = jnp.dot(h, W2p_acc[e], preferred_element_type=f32) + c2_acc[e]
        rows = jax.lax.broadcasted_iota(jnp.int32, (_BTG, _NCW), 0)
        y = jnp.where(rows < vt, y, 0.0)
        y_acc[pl.ds(pl.multiple_of((t - E) * _BTG, _BTG), _BTG), :] = y

    @pl.when(t == E + _NT_G)
    def _combine():
        p0 = p0_ref[...]
        p1 = p1_ref[...]
        w0 = w0_ref[...]
        w1 = w1_ref[...]
        Bi = p0.shape[0]
        acc = jnp.zeros((Bi, _NCW), f32)
        for c in range(_NP // _CCH):
            iota = (jax.lax.broadcasted_iota(jnp.int32, (Bi, _CCH), 1)
                    + c * _CCH)
            g0 = jnp.where(iota == p0, w0, 0.0)
            g1 = jnp.where(iota == p1, w1, 0.0)
            ych = y_acc[pl.ds(c * _CCH, _CCH), :]
            acc += jnp.dot(g0, ych, preferred_element_type=f32)
            acc += jnp.dot(g1, ych, preferred_element_type=f32)
        bout = jnp.concatenate(
            [bout_ref[...],
             jnp.zeros((1, _NCW - _NUM_CLASSES), f32)], axis=-1)
        out_ref[...] = acc + bout



def _dispatch_body(att_hbm, p0_hbm, p1_hbm, xs_hbm, a_v, p0_v, p1_v,
                   sem0, sem1, sem2):
    nc = 2
    wid = lax.axis_index("s") * nc + lax.axis_index("c")
    n = a_v.shape[0]
    base = wid * n
    ld0 = pltpu.async_copy(p0_hbm.at[pl.ds(base, n)], p0_v, sem0)
    ld1 = pltpu.async_copy(p1_hbm.at[pl.ds(base, n)], p1_v, sem1)
    ld2 = pltpu.async_copy(att_hbm.at[pl.ds(base, n)], a_v, sem2)
    ld0.wait()
    ld1.wait()
    ld2.wait()
    cp0 = pltpu.async_copy(a_v, xs_hbm.at[p0_v], sem0)
    cp1 = pltpu.async_copy(a_v, xs_hbm.at[p1_v], sem1)
    cp0.wait()
    cp1.wait()



def kernel(x, W_in, b_in, W_ph, b_ph, W_gate, b_gate, W_pers, b_pers,
           W_thal, b_thal, W1, b1, W2, b2, W_out, b_out):
    B = x.shape[0]
    nt = B // _BT
    E = _NUM_EXPERTS
    f32 = jnp.float32

    r2 = lambda v: v.reshape(1, -1)

    proj = x @ W_in + b_in
    x_mean = jnp.mean(proj, axis=-1)
    kvec = jnp.arange(1, _H_PH + 1, dtype=f32)
    phase = _DELTA0 * kvec[None, :] * x_mean[:, None]
    feats = jnp.concatenate([jnp.cos(phase), jnp.sin(phase)], axis=-1)

    att = pl.pallas_call(
        _attend_body,
        grid=(nt,),
        in_specs=[
            pl.BlockSpec((_BT, _HIDDEN), lambda i: (i, 0)),
            pl.BlockSpec((_BT, 2 * _H_PH), lambda i: (i, 0)),
            pl.BlockSpec(W_ph.shape, lambda i: (0, 0)),
            pl.BlockSpec((1, _HIDDEN), lambda i: (0, 0)),
        ],
        out_specs=pl.BlockSpec((_BT, _HIDDEN), lambda i: (i, 0)),
        out_shape=jax.ShapeDtypeStruct((B, _HIDDEN), f32),
    )(proj, feats, W_ph, r2(b_ph))

    traits = jnp.asarray(_TRAITS, dtype=f32)
    pbias = traits @ W_pers + b_pers
    thal = (jnp.mean(att, axis=0) @ W_thal + b_thal) * _THAL_SCALE
    gate_logits = att @ W_gate + b_gate + pbias[None, :] + thal[None, :]
    vals, eidx = jax.lax.top_k(gate_logits, 2)
    wv = jax.nn.softmax(vals, axis=-1)
    eidx = eidx.astype(jnp.int32)

    p0, p1, w0, w1, te, vt = pl.pallas_call(
        _routing_body,
        out_shape=[
            jax.ShapeDtypeStruct((B, 1), jnp.int32),
            jax.ShapeDtypeStruct((B, 1), jnp.int32),
            jax.ShapeDtypeStruct((B, 1), f32),
            jax.ShapeDtypeStruct((B, 1), f32),
            jax.ShapeDtypeStruct((_NT_G, 1), jnp.int32),
            jax.ShapeDtypeStruct((_NT_G, 1), jnp.int32),
        ],
    )(eidx, wv)
    p0f = p0.reshape(B)
    p1f = p1.reshape(B)
    tef = te.reshape(_NT_G)
    vtf = vt.reshape(_NT_G)

    mesh = plsc.VectorSubcoreMesh(core_axis_name="c", subcore_axis_name="s")
    npw = B // 32
    xs = pl.kernel(
        _dispatch_body,
        out_type=jax.ShapeDtypeStruct((_NP, _HIDDEN), f32),
        mesh=mesh,
        scratch_types=[
            pltpu.VMEM((npw, _HIDDEN), f32),
            pltpu.VMEM((npw,), jnp.int32),
            pltpu.VMEM((npw,), jnp.int32),
            pltpu.SemaphoreType.DMA,
            pltpu.SemaphoreType.DMA,
            pltpu.SemaphoreType.DMA,
        ],
    )(att, p0f, p1f)

    out = pl.pallas_call(
        _grouped_body,
        grid_spec=pltpu.PrefetchScalarGridSpec(
            num_scalar_prefetch=2,
            grid=(E + _NT_G + 1,),
            in_specs=[
                pl.BlockSpec((_BTG, _HIDDEN),
                             lambda t, te_r, vt_r: (
                                 jnp.clip(t - E, 0, _NT_G - 1), 0)),
                pl.BlockSpec((1, _HIDDEN, _D_FF),
                             lambda t, te_r, vt_r: (
                                 te_r[jnp.clip(t - E, 0, _NT_G - 1)], 0, 0)),
                pl.BlockSpec((1, 1, _D_FF),
                             lambda t, te_r, vt_r: (
                                 te_r[jnp.clip(t - E, 0, _NT_G - 1)], 0, 0)),
                pl.BlockSpec((1, _D_FF, _HIDDEN),
                             lambda t, te_r, vt_r: (
                                 jnp.minimum(t, _NUM_EXPERTS - 1), 0, 0)),
                pl.BlockSpec((1, 1, _HIDDEN),
                             lambda t, te_r, vt_r: (
                                 jnp.minimum(t, _NUM_EXPERTS - 1), 0, 0)),
                pl.BlockSpec(W_out.shape, lambda t, te_r, vt_r: (0, 0)),
                pl.BlockSpec((B, 1), lambda t, te_r, vt_r: (0, 0)),
                pl.BlockSpec((B, 1), lambda t, te_r, vt_r: (0, 0)),
                pl.BlockSpec((B, 1), lambda t, te_r, vt_r: (0, 0)),
                pl.BlockSpec((B, 1), lambda t, te_r, vt_r: (0, 0)),
                pl.BlockSpec((1, _NUM_CLASSES), lambda t, te_r, vt_r: (0, 0)),
            ],
            out_specs=pl.BlockSpec((B, _NCW), lambda t, te_r, vt_r: (0, 0)),
            scratch_shapes=[
                pltpu.VMEM((E, _D_FF, _NCW), f32),
                pltpu.VMEM((E, 1, _NCW), f32),
                pltpu.VMEM((_NP, _NCW), f32),
            ],
        ),
        out_shape=jax.ShapeDtypeStruct((B, _NCW), f32),
    )(tef, vtf, xs, W1, b1.reshape(E, 1, _D_FF), W2, b2.reshape(E, 1, _HIDDEN),
      W_out, p0, p1, w0, w1, r2(b_out))

    return out[:, :_NUM_CLASSES]

# --- scband reference (transcript-rebuilt; emitter-appended) ---
"""Pipeline reference for scband-mnistexpert-poc-49718541418736 (READ-ONLY COPY).

The authoritative reference and input builder live on the scoring server;
editing this copy changes nothing except your own understanding.
"""

import jax, jax.numpy as jnp
import numpy as np

HIDDEN = 768
NUM_EXPERTS = 8
TOP_K_ROUTE = 2
D_FF = 1536
NUM_CLASSES = 10
H_PHASOR = 32
DELTA0 = 7.0
DECAY = 0.7
THETA = 1.0
K_WINNERS = 5
K_TOP = 32
THAL_SCALE = 1.0
TRAITS = jnp.array([0.6, 0.6, 0.5, 0.5, 0.4], dtype=jnp.float32)


def setup_inputs(seed: int = 0) -> dict:
    key = jax.random.key(seed)
    ks = jax.random.split(key, 16)
    B, D_IN = 1024, 784
    def s(i, shape, fan):
        return (jax.random.normal(ks[i], shape, dtype=jnp.float32) / np.sqrt(fan)).astype(jnp.float32)
    return {
        "x": jax.random.normal(ks[0], (B, D_IN), dtype=jnp.float32),
        "W_in": s(1, (D_IN, HIDDEN), D_IN), "b_in": jnp.zeros((HIDDEN,), jnp.float32),
        "W_ph": s(2, (2 * H_PHASOR, HIDDEN), 2 * H_PHASOR), "b_ph": jnp.zeros((HIDDEN,), jnp.float32),
        "W_gate": s(3, (HIDDEN, NUM_EXPERTS), HIDDEN), "b_gate": jnp.zeros((NUM_EXPERTS,), jnp.float32),
        "W_pers": s(4, (5, NUM_EXPERTS), 5), "b_pers": jnp.zeros((NUM_EXPERTS,), jnp.float32),
        "W_thal": s(5, (HIDDEN, NUM_EXPERTS), HIDDEN), "b_thal": jnp.zeros((NUM_EXPERTS,), jnp.float32),
        "W1": s(6, (NUM_EXPERTS, HIDDEN, D_FF), HIDDEN), "b1": jnp.zeros((NUM_EXPERTS, D_FF), jnp.float32),
        "W2": s(7, (NUM_EXPERTS, D_FF, HIDDEN), D_FF), "b2": jnp.zeros((NUM_EXPERTS, HIDDEN), jnp.float32),
        "W_out": s(8, (HIDDEN, NUM_CLASSES), HIDDEN), "b_out": jnp.zeros((NUM_CLASSES,), jnp.float32),
    }


def _phasor(t):
    # PhasorBankJAX(delta0=7.0, H=32): harmonic cos/sin features of a scalar drive
    k = jnp.arange(1, H_PHASOR + 1, dtype=jnp.float32)
    ph = DELTA0 * k * t
    return jnp.concatenate([jnp.cos(ph), jnp.sin(ph)], axis=-1)


def _spike_gain(idx, vocab):
    # SpikingAttentionJAX(decay=0.7, theta=1.0, k_winners=5):
    # leaky accumulation at attended indices (scatter-add), k-winner-take-all firing
    w = DECAY ** jnp.arange(idx.shape[0], dtype=jnp.float32)
    pot = jnp.zeros((vocab,), jnp.float32).at[idx].add(w)
    kth = jax.lax.top_k(pot, K_WINNERS)[0][-1]
    fire = (pot >= jnp.maximum(kth, THETA)).astype(jnp.float32)
    return 1.0 + fire * pot


def _forward(x, W_in, b_in, W_ph, b_ph, W_gate, b_gate, W_pers, b_pers,
             W_thal, b_thal, W1, b1, W2, b2, W_out, b_out):
    B = x.shape[0]
    x_flat = x.reshape((B, -1))
    projected_x = x_flat @ W_in + b_in
    x_mean = jnp.mean(projected_x, axis=-1)
    temporal_features = jax.vmap(_phasor)(x_mean)
    temporal_mapped = temporal_features @ W_ph + b_ph
    enhanced_x = projected_x + temporal_mapped
    V = enhanced_x.shape[-1]
    topk_idx = jax.lax.top_k(enhanced_x, min(K_TOP, V))[1].astype(jnp.int32)
    attention_gains = jax.vmap(lambda i: _spike_gain(i, V))(topk_idx)
    attended_x = enhanced_x * attention_gains
    # PersonalityModulator bias over experts
    pbias = TRAITS @ W_pers + b_pers
    # thalamic head on batch-mean stimulus
    thal = (jnp.mean(attended_x, axis=0) @ W_thal + b_thal) * THAL_SCALE
    # EnhancedSpikingRetrievalCore: top-k gated MoE
    gate_logits = attended_x @ W_gate + b_gate + pbias[None, :] + thal[None, :]
    vals, eidx = jax.lax.top_k(gate_logits, TOP_K_ROUTE)
    wv = jax.nn.softmax(vals, axis=-1)
    gate_w = jnp.zeros((B, NUM_EXPERTS), jnp.float32).at[jnp.arange(B)[:, None], eidx].set(wv)
    h = jax.nn.relu(jnp.einsum('bd,edf->bef', attended_x, W1) + b1[None, :, :])
    expert_out = jnp.einsum('bef,efd->bed', h, W2) + b2[None, :, :]
    context = jnp.einsum('be,bed->bd', gate_w, expert_out)
    logits = context @ W_out + b_out
    return logits


def reference(x, W_in, b_in, W_ph, b_ph, W_gate, b_gate, W_pers, b_pers,
              W_thal, b_thal, W1, b1, W2, b2, W_out, b_out):
    return _forward(x, W_in, b_in, W_ph, b_ph, W_gate, b_gate, W_pers, b_pers,
                    W_thal, b_thal, W1, b1, W2, b2, W_out, b_out)

if __name__ == "__main__":
    import jax
    _d = setup_inputs()
    print(jax.jit(kernel)(*tuple(_d.values())))

</pallas_src>

<mosaic_0001>
#map = affine_map<(d0, d1) -> (0, 0)>
#map1 = affine_map<(d0, d1) -> (0)>
module attributes {stable_mosaic.version = 14 : i64} {
  func.func @_dispatch_body(%arg0: i32, %arg1: i32, %arg2: memref<1024x768xf32, #tpu.memory_space<hbm>>, %arg3: memref<1024xi32, #tpu.memory_space<hbm>>, %arg4: memref<1024xi32, #tpu.memory_space<hbm>>, %arg5: memref<4096x768xf32, #tpu.memory_space<hbm>>, %arg6: memref<32x768xf32, #tpu.memory_space<vmem>>, %arg7: memref<32xi32, #tpu.memory_space<vmem>>, %arg8: memref<32xi32, #tpu.memory_space<vmem>>, %arg9: memref<!tpu.dma_semaphore, #tpu.memory_space<semaphore_mem>>, %arg10: memref<!tpu.dma_semaphore, #tpu.memory_space<semaphore_mem>>, %arg11: memref<!tpu.dma_semaphore, #tpu.memory_space<semaphore_mem>>) attributes {dimension_semantics = [#tpu.dimension_semantics<core_parallel>, #tpu.dimension_semantics<subcore_parallel>], iteration_bounds = array<i64: 2, 16>, scalar_prefetch = 0 : i64, scratch_operands = 6 : i64, tpu.core_type = #tpu.core_type<sc_vector_subcore>, window_params = [{transform_indices = #map}, {transform_indices = #map1}, {transform_indices = #map1}, {transform_indices = #map}]} {
    %mul3A = arith.constant 2 : i32
    %mul3A_0 = arith.muli %arg1, %mul3A : i32
    %add3A = arith.addi %mul3A_0, %arg0 : i32
    %mul3A_1 = arith.constant 32 : i32
    %mul3A_2 = arith.muli %add3A, %mul3A_1 : i32
    %dma_start3A = tpu.memref_slice %arg3[%mul3A_2] : memref<1024xi32, #tpu.memory_space<hbm>> -> memref<32xi32, #tpu.memory_space<hbm>>
    %dma_start3A_3 = tpu.memref_slice %arg3[%mul3A_2] : memref<1024xi32, #tpu.memory_space<hbm>> -> memref<32xi32, #tpu.memory_space<hbm>>
    tpu.enqueue_dma source(%dma_start3A_3 : memref<32xi32, #tpu.memory_space<hbm>>) target(%arg7 : memref<32xi32, #tpu.memory_space<vmem>>) target_semaphore(%arg9 : memref<!tpu.dma_semaphore, #tpu.memory_space<semaphore_mem>>)
    %dma_start3A_4 = tpu.memref_slice %arg4[%mul3A_2] : memref<1024xi32, #tpu.memory_space<hbm>> -> memref<32xi32, #tpu.memory_space<hbm>>
    %dma_start3A_5 = tpu.memref_slice %arg4[%mul3A_2] : memref<1024xi32, #tpu.memory_space<hbm>> -> memref<32xi32, #tpu.memory_space<hbm>>
    tpu.enqueue_dma source(%dma_start3A_5 : memref<32xi32, #tpu.memory_space<hbm>>) target(%arg8 : memref<32xi32, #tpu.memory_space<vmem>>) target_semaphore(%arg10 : memref<!tpu.dma_semaphore, #tpu.memory_space<semaphore_mem>>)
    %dma_start3A_6 = arith.constant 0 : i32
    %dma_start3A_7 = tpu.memref_slice %arg2[%mul3A_2, %dma_start3A_6] : memref<1024x768xf32, #tpu.memory_space<hbm>> -> memref<32x768xf32, #tpu.memory_space<hbm>>
    %dma_start3A_8 = arith.constant 0 : i32
    %dma_start3A_9 = tpu.memref_slice %arg2[%mul3A_2, %dma_start3A_8] : memref<1024x768xf32, #tpu.memory_space<hbm>> -> memref<32x768xf32, #tpu.memory_space<hbm>>
    tpu.enqueue_dma source(%dma_start3A_9 : memref<32x768xf32, #tpu.memory_space<hbm>>) target(%arg6 : memref<32x768xf32, #tpu.memory_space<vmem>>) target_semaphore(%arg11 : memref<!tpu.dma_semaphore, #tpu.memory_space<semaphore_mem>>)
    %dma_wait3A = tpu.memref_slice %arg3[%mul3A_2] : memref<1024xi32, #tpu.memory_space<hbm>> -> memref<32xi32, #tpu.memory_space<hbm>>
    %dma_wait3A_10 = tpu.memref_slice %arg3[%mul3A_2] : memref<1024xi32, #tpu.memory_space<hbm>> -> memref<32xi32, #tpu.memory_space<hbm>>
    tpu.wait_dma2 semaphore(%arg9 : memref<!tpu.dma_semaphore, #tpu.memory_space<semaphore_mem>>) src(%dma_wait3A_10 : memref<32xi32, #tpu.memory_space<hbm>>) dst(%arg7 : memref<32xi32, #tpu.memory_space<vmem>>)
    %dma_wait3A_11 = tpu.memref_slice %arg4[%mul3A_2] : memref<1024xi32, #tpu.memory_space<hbm>> -> memref<32xi32, #tpu.memory_space<hbm>>
    %dma_wait3A_12 = tpu.memref_slice %arg4[%mul3A_2] : memref<1024xi32, #tpu.memory_space<hbm>> -> memref<32xi32, #tpu.memory_space<hbm>>
    tpu.wait_dma2 semaphore(%arg10 : memref<!tpu.dma_semaphore, #tpu.memory_space<semaphore_mem>>) src(%dma_wait3A_12 : memref<32xi32, #tpu.memory_space<hbm>>) dst(%arg8 : memref<32xi32, #tpu.memory_space<vmem>>)
    %dma_wait3A_13 = arith.constant 0 : i32
    %dma_wait3A_14 = tpu.memref_slice %arg2[%mul3A_2, %dma_wait3A_13] : memref<1024x768xf32, #tpu.memory_space<hbm>> -> memref<32x768xf32, #tpu.memory_space<hbm>>
    %dma_wait3A_15 = arith.constant 0 : i32
    %dma_wait3A_16 = tpu.memref_slice %arg2[%mul3A_2, %dma_wait3A_15] : memref<1024x768xf32, #tpu.memory_space<hbm>> -> memref<32x768xf32, #tpu.memory_space<hbm>>
    tpu.wait_dma2 semaphore(%arg11 : memref<!tpu.dma_semaphore, #tpu.memory_space<semaphore_mem>>) src(%dma_wait3A_16 : memref<32x768xf32, #tpu.memory_space<hbm>>) dst(%arg6 : memref<32x768xf32, #tpu.memory_space<vmem>>)
    %dma_start3A_17 = arith.constant 0 : i32
    %dma_start3A_18 = arith.constant 0 : i32
    %dma_start3A_19 = tpu.memref_slice %arg5[%dma_start3A_17, %dma_start3A_18] : memref<4096x768xf32, #tpu.memory_space<hbm>> -> memref<4096x768xf32, #tpu.memory_space<hbm>>
    tpu.enqueue_indirect_dma source(%arg6 : memref<32x768xf32, #tpu.memory_space<vmem>>) target(%dma_start3A_19 : memref<4096x768xf32, #tpu.memory_space<hbm>>) offsets(%arg7 : memref<32xi32, #tpu.memory_space<vmem>>) semaphore(%arg9 : memref<!tpu.dma_semaphore, #tpu.memory_space<semaphore_mem>>)
    %dma_start3A_20 = arith.constant 0 : i32
    %dma_start3A_21 = arith.constant 0 : i32
    %dma_start3A_22 = tpu.memref_slice %arg5[%dma_start3A_20, %dma_start3A_21] : memref<4096x768xf32, #tpu.memory_space<hbm>> -> memref<4096x768xf32, #tpu.memory_space<hbm>>
    tpu.enqueue_indirect_dma source(%arg6 : memref<32x768xf32, #tpu.memory_space<vmem>>) target(%dma_start3A_22 : memref<4096x768xf32, #tpu.memory_space<hbm>>) offsets(%arg8 : memref<32xi32, #tpu.memory_space<vmem>>) semaphore(%arg10 : memref<!tpu.dma_semaphore, #tpu.memory_space<semaphore_mem>>)
    %dma_wait3A_23 = arith.constant 0 : i32
    %dma_wait3A_24 = arith.constant 0 : i32
    %dma_wait3A_25 = tpu.memref_slice %arg5[%dma_wait3A_23, %dma_wait3A_24] : memref<4096x768xf32, #tpu.memory_space<hbm>> -> memref<4096x768xf32, #tpu.memory_space<hbm>>
    tpu.wait_indirect_dma semaphore(%arg9 : memref<!tpu.dma_semaphore, #tpu.memory_space<semaphore_mem>>) src(%arg6 : memref<32x768xf32, #tpu.memory_space<vmem>>) dst(%dma_wait3A_25 : memref<4096x768xf32, #tpu.memory_space<hbm>>)
    %dma_wait3A_26 = arith.constant 0 : i32
    %dma_wait3A_27 = arith.constant 0 : i32
    %dma_wait3A_28 = tpu.memref_slice %arg5[%dma_wait3A_26, %dma_wait3A_27] : memref<4096x768xf32, #tpu.memory_space<hbm>> -> memref<4096x768xf32, #tpu.memory_space<hbm>>
    tpu.wait_indirect_dma semaphore(%arg10 : memref<!tpu.dma_semaphore, #tpu.memory_space<semaphore_mem>>) src(%arg6 : memref<32x768xf32, #tpu.memory_space<vmem>>) dst(%dma_wait3A_28 : memref<4096x768xf32, #tpu.memory_space<hbm>>)
    return
  }
}

module attributes {stable_mosaic.version = 14 : i64} {
  func.func @_attend_body(%arg0: i32, %arg1: memref<128x768xf32, #tpu.memory_space<vmem>>, %arg2: memref<128x64xf32, #tpu.memory_space<vmem>>, %arg3: memref<64x768xf32, #tpu.memory_space<vmem>>, %arg4: memref<1x768xf32, #tpu.memory_space<vmem>>, %arg5: memref<128x768xf32, #tpu.memory_space<vmem>>) attributes {dimension_semantics = [#tpu.dimension_semantics<arbitrary>], iteration_bounds = array<i64: 8>, scalar_prefetch = 0 : i64, scratch_operands = 0 : i64, tpu.core_type = #tpu.core_type<tc>, window_params = [{transform_indices = @transform_0, window_bounds = array<i64: 128, 768>}, {transform_indices = @transform_1, window_bounds = array<i64: 128, 64>}, {pipeline_mode = #tpu.pipeline_mode<synchronous>, transform_indices = @transform_2, window_bounds = array<i64: 64, 768>}, {pipeline_mode = #tpu.pipeline_mode<synchronous>, transform_indices = @transform_3, window_bounds = array<i64: 1, 768>}, {transform_indices = @transform_4, window_bounds = array<i64: 128, 768>}]} {
    %get3A = arith.constant 0 : index
    %get3A_0 = arith.constant 0 : index
    %get3A_1 = vector.load %arg1[%get3A, %get3A_0] : memref<128x768xf32, #tpu.memory_space<vmem>>, vector<128x768xf32>
    %get3A_2 = arith.constant 0 : index
    %get3A_3 = arith.constant 0 : index
    %get3A_4 = vector.load %arg2[%get3A_2, %get3A_3] : memref<128x64xf32, #tpu.memory_space<vmem>>, vector<128x64xf32>
    %get3A_5 = arith.constant 0 : index
    %get3A_6 = arith.constant 0 : index
    %get3A_7 = vector.load %arg3[%get3A_5, %get3A_6] : memref<64x768xf32, #tpu.memory_space<vmem>>, vector<64x768xf32>
    %dot_general3A = arith.constant dense<0.000000e+00> : vector<128x768xf32>
    %dot_general3A_8 = tpu.matmul %get3A_4, %get3A_7, %dot_general3A {dimension_numbers = #tpu.dot_dimension_numbers<[1], [0], [0], [1], [0, 0, 1, 1], [], []>, transpose_lhs_hint = false} : vector<128x64xf32>, vector<64x768xf32>, vector<128x768xf32> -> vector<128x768xf32>
    %get3A_9 = arith.constant 0 : index
    %get3A_10 = arith.constant 0 : index
    %get3A_11 = vector.load %arg4[%get3A_9, %get3A_10] : memref<1x768xf32, #tpu.memory_space<vmem>>, vector<1x768xf32>
    %add3A = vector.broadcast %get3A_11 : vector<1x768xf32> to vector<128x768xf32>
    %add3A_12 = arith.addf %dot_general3A_8, %add3A : vector<128x768xf32>
    %add3A_13 = arith.addf %get3A_1, %add3A_12 : vector<128x768xf32>
    %iota3A = tpu.iota {dimensions = array<i32: 1>} : vector<128x768xi32>
    %reduce_max3A = arith.constant dense<0xFF800000> : vector<128xf32>
    %reduce_max3A_14 = vector.multi_reduction <maximumf>, %add3A_13, %reduce_max3A [1] : vector<128x768xf32> to vector<128xf32>
    %broadcast_in_dim3A = vector.shape_cast %reduce_max3A_14 : vector<128xf32> to vector<128x1xf32>
    %eq3A = vector.broadcast %broadcast_in_dim3A : vector<128x1xf32> to vector<128x768xf32>
    %eq3A_15 = arith.cmpf oeq, %add3A_13, %eq3A : vector<128x768xf32>
    %jit3A = arith.constant 768 : i32
    %broadcast_in_dim3A_16 = vector.broadcast %jit3A : i32 to vector<128x768xi32>
    %select_n3A = arith.select %eq3A_15, %iota3A, %broadcast_in_dim3A_16 : vector<128x768xi1>, vector<128x768xi32>
    %reduce_min3A = arith.constant dense<2147483647> : vector<128xi32>
    %reduce_min3A_17 = vector.multi_reduction <minsi>, %select_n3A, %reduce_min3A [1] : vector<128x768xi32> to vector<128xi32>
    %broadcast_in_dim3A_18 = vector.shape_cast %reduce_min3A_17 : vector<128xi32> to vector<128x1xi32>
    %eq3A_19 = vector.broadcast %broadcast_in_dim3A_18 : vector<128x1xi32> to vector<128x768xi32>
    %eq3A_20 = arith.cmpi eq, %iota3A, %eq3A_19 : vector<128x768xi32>
    %convert_element_type3A = arith.extui %eq3A_20 : vector<128x768xi1> to vector<128x768xi32>
    %convert_element_type3A_21 = arith.sitofp %convert_element_type3A : vector<128x768xi32> to vector<128x768xf32>
    %add3A_22 = arith.constant 1.000000e+00 : f32
    %add3A_23 = vector.broadcast %add3A_22 : f32 to vector<128x768xf32>
    %add3A_24 = arith.addf %add3A_23, %convert_element_type3A_21 : vector<128x768xf32>
    %mul3A = arith.mulf %add3A_13, %add3A_24 : vector<128x768xf32>
    %swap3A = arith.constant 0 : index
    %swap3A_25 = arith.constant 0 : index
    %swap3A_26 = vector.load %arg5[%swap3A, %swap3A_25] : memref<128x768xf32, #tpu.memory_space<vmem>>, vector<128x768xf32>
    tpu.vector_store %arg5[%swap3A, %swap3A_25], %mul3A {strides = array<i32>} : memref<128x768xf32, #tpu.memory_space<vmem>>, vector<128x768xf32>,
    return
  }
  func.func @transform_0(%arg0: i32) -> (i32, i32) {
    %c0_i32 = arith.constant 0 : i32
    %c0_i32_0 = arith.constant 0 : i32
    return %arg0, %c0_i32 : i32, i32
  }
  func.func @transform_1(%arg0: i32) -> (i32, i32) {
    %c0_i32 = arith.constant 0 : i32
    %c0_i32_0 = arith.constant 0 : i32
    return %arg0, %c0_i32 : i32, i32
  }
  func.func @transform_2(%arg0: i32) -> (i32, i32) {
    %c0_i32 = arith.constant 0 : i32
    %c0_i32_0 = arith.constant 0 : i32
    %c0_i32_1 = arith.constant 0 : i32
    return %c0_i32, %c0_i32_0 : i32, i32
  }
  func.func @transform_3(%arg0: i32) -> (i32, i32) {
    %c0_i32 = arith.constant 0 : i32
    %c0_i32_0 = arith.constant 0 : i32
    %c0_i32_1 = arith.constant 0 : i32
    return %c0_i32, %c0_i32_0 : i32, i32
  }
  func.func @transform_4(%arg0: i32) -> (i32, i32) {
    %c0_i32 = arith.constant 0 : i32
    %c0_i32_0 = arith.constant 0 : i32
    return %arg0, %c0_i32 : i32, i32
  }
}

module attributes {stable_mosaic.version = 14 : i64} {
  func.func @_grouped_body(%arg0: i32, %arg1: memref<16xi32, #tpu.memory_space<smem>>, %arg2: memref<16xi32, #tpu.memory_space<smem>>, %arg3: memref<256x768xf32, #tpu.memory_space<vmem>>, %arg4: memref<1x768x1536xf32, #tpu.memory_space<vmem>>, %arg5: memref<1x1x1536xf32, #tpu.memory_space<vmem>>, %arg6: memref<1x1536x768xf32, #tpu.memory_space<vmem>>, %arg7: memref<1x1x768xf32, #tpu.memory_space<vmem>>, %arg8: memref<768x10xf32, #tpu.memory_space<vmem>>, %arg9: memref<1024x1xi32, #tpu.memory_space<vmem>>, %arg10: memref<1024x1xi32, #tpu.memory_space<vmem>>, %arg11: memref<1024x1xf32, #tpu.memory_space<vmem>>, %arg12: memref<1024x1xf32, #tpu.memory_space<vmem>>, %arg13: memref<1x10xf32, #tpu.memory_space<vmem>>, %arg14: memref<1024x128xf32, #tpu.memory_space<vmem>>, %arg15: memref<8x1536x128xf32, #tpu.memory_space<vmem>>, %arg16: memref<8x1x128xf32, #tpu.memory_space<vmem>>, %arg17: memref<4096x128xf32, #tpu.memory_space<vmem>>) attributes {dimension_semantics = [#tpu.dimension_semantics<arbitrary>], iteration_bounds = array<i64: 25>, scalar_prefetch = 2 : i64, scratch_operands = 3 : i64, tpu.core_type = #tpu.core_type<tc>, window_params = [{transform_indices = @transform_0, window_bounds = array<i64: 256, 768>}, {transform_indices = @transform_1, window_bounds = array<i64: 1, 768, 1536>}, {transform_indices = @transform_2, window_bounds = array<i64: 1, 1, 1536>}, {transform_indices = @transform_3, window_bounds = array<i64: 1, 1536, 768>}, {transform_indices = @transform_4, window_bounds = array<i64: 1, 1, 768>}, {pipeline_mode = #tpu.pipeline_mode<synchronous>, transform_indices = @transform_5, window_bounds = array<i64: 768, 10>}, {pipeline_mode = #tpu.pipeline_mode<synchronous>, transform_indices = @transform_6, window_bounds = array<i64: 1024, 1>}, {pipeline_mode = #tpu.pipeline_mode<synchronous>, transform_indices = @transform_7, window_bounds = array<i64: 1024, 1>}, {pipeline_mode = #tpu.pipeline_mode<synchronous>, transform_indices = @transform_8, window_bounds = array<i64: 1024, 1>}, {pipeline_mode = #tpu.pipeline_mode<synchronous>, transform_indices = @transform_9, window_bounds = array<i64: 1024, 1>}, {pipeline_mode = #tpu.pipeline_mode<synchronous>, transform_indices = @transform_10, window_bounds = array<i64: 1, 10>}, {pipeline_mode = #tpu.pipeline_mode<synchronous>, transform_indices = @transform_11, window_bounds = array<i64: 1024, 128>}]} {
    %lt3A = arith.constant 8 : i32
    %lt3A_0 = arith.cmpi slt, %arg0, %lt3A : i32
    %convert_element_type3A = arith.extui %lt3A_0 : i1 to i32
    %cond3A = arith.constant 0 : i32
    %cond3A_1 = arith.cmpi ne, %convert_element_type3A, %cond3A : i32
    scf.if %cond3A_1 {
      %get3A = arith.constant 0 : index
      %get3A_12 = arith.constant 0 : index
      %get3A_13 = arith.constant 0 : index
      %get3A_14 = vector.load %arg6[%get3A, %get3A_12, %get3A_13] : memref<1x1536x768xf32, #tpu.memory_space<vmem>>, vector<1x1536x768xf32>
      %get3A_15 = vector.shape_cast %get3A_14 : vector<1x1536x768xf32> to vector<1536x768xf32>
      %get3A_16 = arith.constant 0 : index
      %get3A_17 = arith.constant 0 : index
      %get3A_18 = vector.load %arg8[%get3A_16, %get3A_17] : memref<768x10xf32, #tpu.memory_space<vmem>>, vector<768x10xf32>
      %dot_general3A = arith.constant dense<0.000000e+00> : vector<1536x10xf32>
      %dot_general3A_19 = tpu.matmul %get3A_15, %get3A_18, %dot_general3A {dimension_numbers = #tpu.dot_dimension_numbers<[1], [0], [0], [1], [0, 0, 1, 1], [], []>, transpose_lhs_hint = false} : vector<1536x768xf32>, vector<768x10xf32>, vector<1536x10xf32> -> vector<1536x10xf32>
      %broadcast_in_dim3A = arith.constant 0.000000e+00 : f32
      %broadcast_in_dim3A_20 = vector.broadcast %broadcast_in_dim3A : f32 to vector<1536x118xf32>
      %concatenate3A = tpu.concatenate %dot_general3A_19, %broadcast_in_dim3A_20 in 1 : vector<1536x10xf32>, vector<1536x118xf32> -> vector<1536x128xf32>
      %swap3A = arith.index_cast %arg0 : i32 to index
      %swap3A_21 = arith.constant 0 : index
      %swap3A_22 = arith.constant 0 : index
      %swap3A_23 = vector.load %arg15[%swap3A, %swap3A_21, %swap3A_22] : memref<8x1536x128xf32, #tpu.memory_space<vmem>>, vector<1x1536x128xf32>
      %swap3A_24 = vector.shape_cast %swap3A_23 : vector<1x1536x128xf32> to vector<1536x128xf32>
      %swap3A_25 = vector.shape_cast %concatenate3A : vector<1536x128xf32> to vector<1x1536x128xf32>
      tpu.vector_store %arg15[%swap3A, %swap3A_21, %swap3A_22], %swap3A_25 {strides = array<i32>} : memref<8x1536x128xf32, #tpu.memory_space<vmem>>, vector<1x1536x128xf32>,
      %get3A_26 = arith.constant 0 : index
      %get3A_27 = arith.constant 0 : index
      %get3A_28 = arith.constant 0 : index
      %get3A_29 = vector.load %arg7[%get3A_26, %get3A_27, %get3A_28] : memref<1x1x768xf32, #tpu.memory_space<vmem>>, vector<1x1x768xf32>
      %get3A_30 = vector.shape_cast %get3A_29 : vector<1x1x768xf32> to vector<1x768xf32>
      %get3A_31 = arith.constant 0 : index
      %get3A_32 = arith.constant 0 : index
      %get3A_33 = vector.load %arg8[%get3A_31, %get3A_32] : memref<768x10xf32, #tpu.memory_space<vmem>>, vector<768x10xf32>
      %dot_general3A_34 = arith.constant dense<0.000000e+00> : vector<1x10xf32>
      %dot_general3A_35 = tpu.matmul %get3A_30, %get3A_33, %dot_general3A_34 {dimension_numbers = #tpu.dot_dimension_numbers<[1], [0], [0], [1], [0, 0, 1, 1], [], []>, transpose_lhs_hint = false} : vector<1x768xf32>, vector<768x10xf32>, vector<1x10xf32> -> vector<1x10xf32>
      %broadcast_in_dim3A_36 = arith.constant 0.000000e+00 : f32
      %broadcast_in_dim3A_37 = vector.broadcast %broadcast_in_dim3A_36 : f32 to vector<1x118xf32>
      %concatenate3A_38 = tpu.concatenate %dot_general3A_35, %broadcast_in_dim3A_37 in 1 : vector<1x10xf32>, vector<1x118xf32> -> vector<1x128xf32>
      %swap3A_39 = arith.index_cast %arg0 : i32 to index
      %swap3A_40 = arith.constant 0 : index
      %swap3A_41 = arith.constant 0 : index
      %swap3A_42 = vector.load %arg16[%swap3A_39, %swap3A_40, %swap3A_41] : memref<8x1x128xf32, #tpu.memory_space<vmem>>, vector<1x1x128xf32>
      %swap3A_43 = vector.shape_cast %swap3A_42 : vector<1x1x128xf32> to vector<1x128xf32>
      %swap3A_44 = vector.shape_cast %concatenate3A_38 : vector<1x128xf32> to vector<1x1x128xf32>
      tpu.vector_store %arg16[%swap3A_39, %swap3A_40, %swap3A_41], %swap3A_44 {strides = array<i32>} : memref<8x1x128xf32, #tpu.memory_space<vmem>>, vector<1x1x128xf32>,
    } else {
    }
    %ge3A = arith.constant 8 : i32
    %ge3A_2 = arith.cmpi sge, %arg0, %ge3A : i32
    %lt3A_3 = arith.constant 24 : i32
    %lt3A_4 = arith.cmpi slt, %arg0, %lt3A_3 : i32
    %and3A = arith.andi %ge3A_2, %lt3A_4 : i1
    %convert_element_type3A_5 = arith.extui %and3A : i1 to i32
    %cond3A_6 = arith.constant 0 : i32
    %cond3A_7 = arith.cmpi ne, %convert_element_type3A_5, %cond3A_6 : i32
    scf.if %cond3A_7 {
      %sub3A = arith.constant 8 : i32
      %sub3A_12 = arith.subi %arg0, %sub3A : i32
      %get3A = arith.index_cast %sub3A_12 : i32 to index
      %get3A_13 = memref.load %arg1[%get3A] : memref<16xi32, #tpu.memory_space<smem>>
      %sub3A_14 = arith.constant 8 : i32
      %sub3A_15 = arith.subi %arg0, %sub3A_14 : i32
      %get3A_16 = arith.index_cast %sub3A_15 : i32 to index
      %get3A_17 = memref.load %arg2[%get3A_16] : memref<16xi32, #tpu.memory_space<smem>>
      %get3A_18 = arith.constant 0 : index
      %get3A_19 = arith.constant 0 : index
      %get3A_20 = vector.load %arg3[%get3A_18, %get3A_19] : memref<256x768xf32, #tpu.memory_space<vmem>>, vector<256x768xf32>
      %get3A_21 = arith.constant 0 : index
      %get3A_22 = arith.constant 0 : index
      %get3A_23 = arith.constant 0 : index
      %get3A_24 = vector.load %arg4[%get3A_21, %get3A_22, %get3A_23] : memref<1x768x1536xf32, #tpu.memory_space<vmem>>, vector<1x768x1536xf32>
      %get3A_25 = vector.shape_cast %get3A_24 : vector<1x768x1536xf32> to vector<768x1536xf32>
      %dot_general3A = arith.constant dense<0.000000e+00> : vector<256x1536xf32>
      %dot_general3A_26 = tpu.matmul %get3A_20, %get3A_25, %dot_general3A {dimension_numbers = #tpu.dot_dimension_numbers<[1], [0], [0], [1], [0, 0, 1, 1], [], []>, transpose_lhs_hint = false} : vector<256x768xf32>, vector<768x1536xf32>, vector<256x1536xf32> -> vector<256x1536xf32>
      %get3A_27 = arith.constant 0 : index
      %get3A_28 = arith.constant 0 : index
      %get3A_29 = arith.constant 0 : index
      %get3A_30 = vector.load %arg5[%get3A_27, %get3A_28, %get3A_29] : memref<1x1x1536xf32, #tpu.memory_space<vmem>>, vector<1x1x1536xf32>
      %get3A_31 = vector.shape_cast %get3A_30 : vector<1x1x1536xf32> to vector<1x1536xf32>
      %add3A = vector.broadcast %get3A_31 : vector<1x1536xf32> to vector<256x1536xf32>
      %add3A_32 = arith.addf %dot_general3A_26, %add3A : vector<256x1536xf32>
      %max3A = arith.constant 0.000000e+00 : f32
      %max3A_33 = vector.broadcast %max3A : f32 to vector<256x1536xf32>
      %max3A_34 = arith.maximumf %add3A_32, %max3A_33 : vector<256x1536xf32>
      %get3A_35 = arith.index_cast %get3A_13 : i32 to index
      %get3A_36 = arith.constant 0 : index
      %get3A_37 = arith.constant 0 : index
      %get3A_38 = vector.load %arg15[%get3A_35, %get3A_36, %get3A_37] : memref<8x1536x128xf32, #tpu.memory_space<vmem>>, vector<1x1536x128xf32>
      %get3A_39 = vector.shape_cast %get3A_38 : vector<1x1536x128xf32> to vector<1536x128xf32>
      %dot_general3A_40 = arith.constant dense<0.000000e+00> : vector<256x128xf32>
      %dot_general3A_41 = tpu.matmul %max3A_34, %get3A_39, %dot_general3A_40 {dimension_numbers = #tpu.dot_dimension_numbers<[1], [0], [0], [1], [0, 0, 1, 1], [], []>, transpose_lhs_hint = false} : vector<256x1536xf32>, vector<1536x128xf32>, vector<256x128xf32> -> vector<256x128xf32>
      %get3A_42 = arith.index_cast %get3A_13 : i32 to index
      %get3A_43 = arith.constant 0 : index
      %get3A_44 = arith.constant 0 : index
      %get3A_45 = vector.load %arg16[%get3A_42, %get3A_43, %get3A_44] : memref<8x1x128xf32, #tpu.memory_space<vmem>>, vector<1x1x128xf32>
      %get3A_46 = vector.shape_cast %get3A_45 : vector<1x1x128xf32> to vector<1x128xf32>
      %add3A_47 = vector.broadcast %get3A_46 : vector<1x128xf32> to vector<256x128xf32>
      %add3A_48 = arith.addf %dot_general3A_41, %add3A_47 : vector<256x128xf32>
      %iota3A = tpu.iota {dimensions = array<i32: 0>} : vector<256x128xi32>
      %lt3A_49 = vector.broadcast %get3A_17 : i32 to vector<256x128xi32>
      %lt3A_50 = arith.cmpi slt, %iota3A, %lt3A_49 : vector<256x128xi32>
      %jit3A = arith.constant 0.000000e+00 : f32
      %broadcast_in_dim3A = vector.broadcast %jit3A : f32 to vector<256x128xf32>
      %select_n3A = arith.select %lt3A_50, %add3A_48, %broadcast_in_dim3A : vector<256x128xi1>, vector<256x128xf32>
      %sub3A_51 = arith.constant 8 : i32
      %sub3A_52 = arith.subi %arg0, %sub3A_51 : i32
      %mul3A = arith.constant 256 : i32
      %mul3A_53 = arith.muli %sub3A_52, %mul3A : i32
      %multiple_of3A = tpu.assume_multiple %mul3A_53, 256 : i32
      %swap3A = arith.index_cast %multiple_of3A : i32 to index
      %swap3A_54 = arith.constant 0 : index
      %swap3A_55 = vector.load %arg17[%swap3A, %swap3A_54] : memref<4096x128xf32, #tpu.memory_space<vmem>>, vector<256x128xf32>
      tpu.vector_store %arg17[%swap3A, %swap3A_54], %select_n3A {strides = array<i32>} : memref<4096x128xf32, #tpu.memory_space<vmem>>, vector<256x128xf32>,
    } else {
    }
    %eq3A = arith.constant 24 : i32
    %eq3A_8 = arith.cmpi eq, %arg0, %eq3A : i32
    %convert_element_type3A_9 = arith.extui %eq3A_8 : i1 to i32
    %cond3A_10 = arith.constant 0 : i32
    %cond3A_11 = arith.cmpi ne, %convert_element_type3A_9, %cond3A_10 : i32
    scf.if %cond3A_11 {
      %get3A = arith.constant 0 : index
      %get3A_12 = arith.constant 0 : index
      %get3A_13 = vector.load %arg9[%get3A, %get3A_12] : memref<1024x1xi32, #tpu.memory_space<vmem>>, vector<1024x1xi32>
      %get3A_14 = arith.constant 0 : index
      %get3A_15 = arith.constant 0 : index
      %get3A_16 = vector.load %arg10[%get3A_14, %get3A_15] : memref<1024x1xi32, #tpu.memory_space<vmem>>, vector<1024x1xi32>
      %get3A_17 = arith.constant 0 : index
      %get3A_18 = arith.constant 0 : index
      %get3A_19 = vector.load %arg11[%get3A_17, %get3A_18] : memref<1024x1xf32, #tpu.memory_space<vmem>>, vector<1024x1xf32>
      %get3A_20 = arith.constant 0 : index
      %get3A_21 = arith.constant 0 : index
      %get3A_22 = vector.load %arg12[%get3A_20, %get3A_21] : memref<1024x1xf32, #tpu.memory_space<vmem>>, vector<1024x1xf32>
      %broadcast_in_dim3A = arith.constant 0.000000e+00 : f32
      %broadcast_in_dim3A_23 = vector.broadcast %broadcast_in_dim3A : f32 to vector<1024x128xf32>
      %iota3A = tpu.iota {dimensions = array<i32: 1>} : vector<1024x1024xi32>
      %add3A = arith.constant 0 : i32
      %add3A_24 = vector.broadcast %add3A : i32 to vector<1024x1024xi32>
      %add3A_25 = arith.addi %iota3A, %add3A_24 : vector<1024x1024xi32>
      %eq3A_26 = vector.broadcast %get3A_13 : vector<1024x1xi32> to vector<1024x1024xi32>
      %eq3A_27 = arith.cmpi eq, %add3A_25, %eq3A_26 : vector<1024x1024xi32>
      %jit3A = arith.constant 0.000000e+00 : f32
      %broadcast_in_dim3A_28 = vector.shape_cast %get3A_19 : vector<1024x1xf32> to vector<1024x1xf32>
      %broadcast_in_dim3A_29 = vector.broadcast %broadcast_in_dim3A_28 : vector<1024x1xf32> to vector<1024x1024xf32>
      %broadcast_in_dim3A_30 = vector.broadcast %jit3A : f32 to vector<1024x1024xf32>
      %select_n3A = arith.select %eq3A_27, %broadcast_in_dim3A_29, %broadcast_in_dim3A_30 : vector<1024x1024xi1>, vector<1024x1024xf32>
      %eq3A_31 = vector.broadcast %get3A_16 : vector<1024x1xi32> to vector<1024x1024xi32>
      %eq3A_32 = arith.cmpi eq, %add3A_25, %eq3A_31 : vector<1024x1024xi32>
      %jit3A_33 = arith.constant 0.000000e+00 : f32
      %broadcast_in_dim3A_34 = vector.shape_cast %get3A_22 : vector<1024x1xf32> to vector<1024x1xf32>
      %broadcast_in_dim3A_35 = vector.broadcast %broadcast_in_dim3A_34 : vector<1024x1xf32> to vector<1024x1024xf32>
      %broadcast_in_dim3A_36 = vector.broadcast %jit3A_33 : f32 to vector<1024x1024xf32>
      %select_n3A_37 = arith.select %eq3A_32, %broadcast_in_dim3A_35, %broadcast_in_dim3A_36 : vector<1024x1024xi1>, vector<1024x1024xf32>
      %get3A_38 = arith.constant 0 : index
      %get3A_39 = arith.constant 0 : index
      %get3A_40 = vector.load %arg17[%get3A_38, %get3A_39] : memref<4096x128xf32, #tpu.memory_space<vmem>>, vector<1024x128xf32>
      %dot_general3A = arith.constant dense<0.000000e+00> : vector<1024x128xf32>
      %dot_general3A_41 = tpu.matmul %select_n3A, %get3A_40, %dot_general3A {dimension_numbers = #tpu.dot_dimension_numbers<[1], [0], [0], [1], [0, 0, 1, 1], [], []>, transpose_lhs_hint = false} : vector<1024x1024xf32>, vector<1024x128xf32>, vector<1024x128xf32> -> vector<1024x128xf32>
      %add3A_42 = arith.addf %broadcast_in_dim3A_23, %dot_general3A_41 : vector<1024x128xf32>
      %dot_general3A_43 = arith.constant dense<0.000000e+00> : vector<1024x128xf32>
      %dot_general3A_44 = tpu.matmul %select_n3A_37, %get3A_40, %dot_general3A_43 {dimension_numbers = #tpu.dot_dimension_numbers<[1], [0], [0], [1], [0, 0, 1, 1], [], []>, transpose_lhs_hint = false} : vector<1024x1024xf32>, vector<1024x128xf32>, vector<1024x128xf32> -> vector<1024x128xf32>
      %add3A_45 = arith.addf %add3A_42, %dot_general3A_44 : vector<1024x128xf32>
      %iota3A_46 = tpu.iota {dimensions = array<i32: 1>} : vector<1024x1024xi32>
      %add3A_47 = arith.constant 1024 : i32
      %add3A_48 = vector.broadcast %add3A_47 : i32 to vector<1024x1024xi32>
      %add3A_49 = arith.addi %iota3A_46, %add3A_48 : vector<1024x1024xi32>
      %eq3A_50 = vector.broadcast %get3A_13 : vector<1024x1xi32> to vector<1024x1024xi32>
      %eq3A_51 = arith.cmpi eq, %add3A_49, %eq3A_50 : vector<1024x1024xi32>
      %jit3A_52 = arith.constant 0.000000e+00 : f32
      %broadcast_in_dim3A_53 = vector.shape_cast %get3A_19 : vector<1024x1xf32> to vector<1024x1xf32>
      %broadcast_in_dim3A_54 = vector.broadcast %broadcast_in_dim3A_53 : vector<1024x1xf32> to vector<1024x1024xf32>
      %broadcast_in_dim3A_55 = vector.broadcast %jit3A_52 : f32 to vector<1024x1024xf32>
      %select_n3A_56 = arith.select %eq3A_51, %broadcast_in_dim3A_54, %broadcast_in_dim3A_55 : vector<1024x1024xi1>, vector<1024x1024xf32>
      %eq3A_57 = vector.broadcast %get3A_16 : vector<1024x1xi32> to vector<1024x1024xi32>
      %eq3A_58 = arith.cmpi eq, %add3A_49, %eq3A_57 : vector<1024x1024xi32>
      %jit3A_59 = arith.constant 0.000000e+00 : f32
      %broadcast_in_dim3A_60 = vector.shape_cast %get3A_22 : vector<1024x1xf32> to vector<1024x1xf32>
      %broadcast_in_dim3A_61 = vector.broadcast %broadcast_in_dim3A_60 : vector<1024x1xf32> to vector<1024x1024xf32>
      %broadcast_in_dim3A_62 = vector.broadcast %jit3A_59 : f32 to vector<1024x1024xf32>
      %select_n3A_63 = arith.select %eq3A_58, %broadcast_in_dim3A_61, %broadcast_in_dim3A_62 : vector<1024x1024xi1>, vector<1024x1024xf32>
      %get3A_64 = arith.constant 1024 : index
      %get3A_65 = arith.constant 0 : index
      %get3A_66 = vector.load %arg17[%get3A_64, %get3A_65] : memref<4096x128xf32, #tpu.memory_space<vmem>>, vector<1024x128xf32>
      %dot_general3A_67 = arith.constant dense<0.000000e+00> : vector<1024x128xf32>
      %dot_general3A_68 = tpu.matmul %select_n3A_56, %get3A_66, %dot_general3A_67 {dimension_numbers = #tpu.dot_dimension_numbers<[1], [0], [0], [1], [0, 0, 1, 1], [], []>, transpose_lhs_hint = false} : vector<1024x1024xf32>, vector<1024x128xf32>, vector<1024x128xf32> -> vector<1024x128xf32>
      %add3A_69 = arith.addf %add3A_45, %dot_general3A_68 : vector<1024x128xf32>
      %dot_general3A_70 = arith.constant dense<0.000000e+00> : vector<1024x128xf32>
      %dot_general3A_71 = tpu.matmul %select_n3A_63, %get3A_66, %dot_general3A_70 {dimension_numbers = #tpu.dot_dimension_numbers<[1], [0], [0], [1], [0, 0, 1, 1], [], []>, transpose_lhs_hint = false} : vector<1024x1024xf32>, vector<1024x128xf32>, vector<1024x128xf32> -> vector<1024x128xf32>
      %add3A_72 = arith.addf %add3A_69, %dot_general3A_71 : vector<1024x128xf32>
      %iota3A_73 = tpu.iota {dimensions = array<i32: 1>} : vector<1024x1024xi32>
      %add3A_74 = arith.constant 2048 : i32
      %add3A_75 = vector.broadcast %add3A_74 : i32 to vector<1024x1024xi32>
      %add3A_76 = arith.addi %iota3A_73, %add3A_75 : vector<1024x1024xi32>
      %eq3A_77 = vector.broadcast %get3A_13 : vector<1024x1xi32> to vector<1024x1024xi32>
      %eq3A_78 = arith.cmpi eq, %add3A_76, %eq3A_77 : vector<1024x1024xi32>
      %jit3A_79 = arith.constant 0.000000e+00 : f32
      %broadcast_in_dim3A_80 = vector.shape_cast %get3A_19 : vector<1024x1xf32> to vector<1024x1xf32>
      %broadcast_in_dim3A_81 = vector.broadcast %broadcast_in_dim3A_80 : vector<1024x1xf32> to vector<1024x1024xf32>
      %broadcast_in_dim3A_82 = vector.broadcast %jit3A_79 : f32 to vector<1024x1024xf32>
      %select_n3A_83 = arith.select %eq3A_78, %broadcast_in_dim3A_81, %broadcast_in_dim3A_82 : vector<1024x1024xi1>, vector<1024x1024xf32>
      %eq3A_84 = vector.broadcast %get3A_16 : vector<1024x1xi32> to vector<1024x1024xi32>
      %eq3A_85 = arith.cmpi eq, %add3A_76, %eq3A_84 : vector<1024x1024xi32>
      %jit3A_86 = arith.constant 0.000000e+00 : f32
      %broadcast_in_dim3A_87 = vector.shape_cast %get3A_22 : vector<1024x1xf32> to vector<1024x1xf32>
      %broadcast_in_dim3A_88 = vector.broadcast %broadcast_in_dim3A_87 : vector<1024x1xf32> to vector<1024x1024xf32>
      %broadcast_in_dim3A_89 = vector.broadcast %jit3A_86 : f32 to vector<1024x1024xf32>
      %select_n3A_90 = arith.select %eq3A_85, %broadcast_in_dim3A_88, %broadcast_in_dim3A_89 : vector<1024x1024xi1>, vector<1024x1024xf32>
      %get3A_91 = arith.constant 2048 : index
      %get3A_92 = arith.constant 0 : index
      %get3A_93 = vector.load %arg17[%get3A_91, %get3A_92] : memref<4096x128xf32, #tpu.memory_space<vmem>>, vector<1024x128xf32>
      %dot_general3A_94 = arith.constant dense<0.000000e+00> : vector<1024x128xf32>
      %dot_general3A_95 = tpu.matmul %select_n3A_83, %get3A_93, %dot_general3A_94 {dimension_numbers = #tpu.dot_dimension_numbers<[1], [0], [0], [1], [0, 0, 1, 1], [], []>, transpose_lhs_hint = false} : vector<1024x1024xf32>, vector<1024x128xf32>, vector<1024x128xf32> -> vector<1024x128xf32>
      %add3A_96 = arith.addf %add3A_72, %dot_general3A_95 : vector<1024x128xf32>
      %dot_general3A_97 = arith.constant dense<0.000000e+00> : vector<1024x128xf32>
      %dot_general3A_98 = tpu.matmul %select_n3A_90, %get3A_93, %dot_general3A_97 {dimension_numbers = #tpu.dot_dimension_numbers<[1], [0], [0], [1], [0, 0, 1, 1], [], []>, transpose_lhs_hint = false} : vector<1024x1024xf32>, vector<1024x128xf32>, vector<1024x128xf32> -> vector<1024x128xf32>
      %add3A_99 = arith.addf %add3A_96, %dot_general3A_98 : vector<1024x128xf32>
      %iota3A_100 = tpu.iota {dimensions = array<i32: 1>} : vector<1024x1024xi32>
      %add3A_101 = arith.constant 3072 : i32
      %add3A_102 = vector.broadcast %add3A_101 : i32 to vector<1024x1024xi32>
      %add3A_103 = arith.addi %iota3A_100, %add3A_102 : vector<1024x1024xi32>
      %eq3A_104 = vector.broadcast %get3A_13 : vector<1024x1xi32> to vector<1024x1024xi32>
      %eq3A_105 = arith.cmpi eq, %add3A_103, %eq3A_104 : vector<1024x1024xi32>
      %jit3A_106 = arith.constant 0.000000e+00 : f32
      %broadcast_in_dim3A_107 = vector.shape_cast %get3A_19 : vector<1024x1xf32> to vector<1024x1xf32>
      %broadcast_in_dim3A_108 = vector.broadcast %broadcast_in_dim3A_107 : vector<1024x1xf32> to vector<1024x1024xf32>
      %broadcast_in_dim3A_109 = vector.broadcast %jit3A_106 : f32 to vector<1024x1024xf32>
      %select_n3A_110 = arith.select %eq3A_105, %broadcast_in_dim3A_108, %broadcast_in_dim3A_109 : vector<1024x1024xi1>, vector<1024x1024xf32>
      %eq3A_111 = vector.broadcast %get3A_16 : vector<1024x1xi32> to vector<1024x1024xi32>
      %eq3A_112 = arith.cmpi eq, %add3A_103, %eq3A_111 : vector<1024x1024xi32>
      %jit3A_113 = arith.constant 0.000000e+00 : f32
      %broadcast_in_dim3A_114 = vector.shape_cast %get3A_22 : vector<1024x1xf32> to vector<1024x1xf32>
      %broadcast_in_dim3A_115 = vector.broadcast %broadcast_in_dim3A_114 : vector<1024x1xf32> to vector<1024x1024xf32>
      %broadcast_in_dim3A_116 = vector.broadcast %jit3A_113 : f32 to vector<1024x1024xf32>
      %select_n3A_117 = arith.select %eq3A_112, %broadcast_in_dim3A_115, %broadcast_in_dim3A_116 : vector<1024x1024xi1>, vector<1024x1024xf32>
      %get3A_118 = arith.constant 3072 : index
      %get3A_119 = arith.constant 0 : index
      %get3A_120 = vector.load %arg17[%get3A_118, %get3A_119] : memref<4096x128xf32, #tpu.memory_space<vmem>>, vector<1024x128xf32>
      %dot_general3A_121 = arith.constant dense<0.000000e+00> : vector<1024x128xf32>
      %dot_general3A_122 = tpu.matmul %select_n3A_110, %get3A_120, %dot_general3A_121 {dimension_numbers = #tpu.dot_dimension_numbers<[1], [0], [0], [1], [0, 0, 1, 1], [], []>, transpose_lhs_hint = false} : vector<1024x1024xf32>, vector<1024x128xf32>, vector<1024x128xf32> -> vector<1024x128xf32>
      %add3A_123 = arith.addf %add3A_99, %dot_general3A_122 : vector<1024x128xf32>
      %dot_general3A_124 = arith.constant dense<0.000000e+00> : vector<1024x128xf32>
      %dot_general3A_125 = tpu.matmul %select_n3A_117, %get3A_120, %dot_general3A_124 {dimension_numbers = #tpu.dot_dimension_numbers<[1], [0], [0], [1], [0, 0, 1, 1], [], []>, transpose_lhs_hint = false} : vector<1024x1024xf32>, vector<1024x128xf32>, vector<1024x128xf32> -> vector<1024x128xf32>
      %add3A_126 = arith.addf %add3A_123, %dot_general3A_125 : vector<1024x128xf32>
      %get3A_127 = arith.constant 0 : index
      %get3A_128 = arith.constant 0 : index
      %get3A_129 = vector.load %arg13[%get3A_127, %get3A_128] : memref<1x10xf32, #tpu.memory_space<vmem>>, vector<1x10xf32>
      %broadcast_in_dim3A_130 = arith.constant 0.000000e+00 : f32
      %broadcast_in_dim3A_131 = vector.broadcast %broadcast_in_dim3A_130 : f32 to vector<1x118xf32>
      %concatenate3A = tpu.concatenate %get3A_129, %broadcast_in_dim3A_131 in 1 : vector<1x10xf32>, vector<1x118xf32> -> vector<1x128xf32>
      %add3A_132 = vector.broadcast %concatenate3A : vector<1x128xf32> to vector<1024x128xf32>
      %add3A_133 = arith.addf %add3A_126, %add3A_132 : vector<1024x128xf32>
      %swap3A = arith.constant 0 : index
      %swap3A_134 = arith.constant 0 : index
      %swap3A_135 = vector.load %arg14[%swap3A, %swap3A_134] : memref<1024x128xf32, #tpu.memory_space<vmem>>, vector<1024x128xf32>
      tpu.vector_store %arg14[%swap3A, %swap3A_134], %add3A_133 {strides = array<i32>} : memref<1024x128xf32, #tpu.memory_space<vmem>>, vector<1024x128xf32>,
    } else {
    }
    return
  }
  func.func @transform_0(%arg0: i32, %arg1: memref<16xi32, #tpu.memory_space<smem>>, %arg2: memref<16xi32, #tpu.memory_space<smem>>) -> (i32, i32) {
    %sub3A = arith.constant 8 : i32
    %sub3A_0 = arith.subi %arg0, %sub3A : i32
    %jit3A = arith.constant 0 : i32
    %jit3A_1 = arith.constant 15 : i32
    %max3A = arith.maxsi %jit3A, %sub3A_0 : i32
    %min3A = arith.minsi %jit3A_1, %max3A : i32
    %c0_i32 = arith.constant 0 : i32
    %c0_i32_2 = arith.constant 0 : i32
    return %min3A, %c0_i32 : i32, i32
  }
  func.func @transform_1(%arg0: i32, %arg1: memref<16xi32, #tpu.memory_space<smem>>, %arg2: memref<16xi32, #tpu.memory_space<smem>>) -> (i32, i32, i32) {
    %sub3A = arith.constant 8 : i32
    %sub3A_0 = arith.subi %arg0, %sub3A : i32
    %jit3A = arith.constant 0 : i32
    %jit3A_1 = arith.constant 15 : i32
    %max3A = arith.maxsi %jit3A, %sub3A_0 : i32
    %min3A = arith.minsi %jit3A_1, %max3A : i32
    %get3A = arith.index_cast %min3A : i32 to index
    %get3A_2 = memref.load %arg1[%get3A] : memref<16xi32, #tpu.memory_space<smem>>
    %c0_i32 = arith.constant 0 : i32
    %c0_i32_3 = arith.constant 0 : i32
    %c0_i32_4 = arith.constant 0 : i32
    return %get3A_2, %c0_i32, %c0_i32_3 : i32, i32, i32
  }
  func.func @transform_2(%arg0: i32, %arg1: memref<16xi32, #tpu.memory_space<smem>>, %arg2: memref<16xi32, #tpu.memory_space<smem>>) -> (i32, i32, i32) {
    %sub3A = arith.constant 8 : i32
    %sub3A_0 = arith.subi %arg0, %sub3A : i32
    %jit3A = arith.constant 0 : i32
    %jit3A_1 = arith.constant 15 : i32
    %max3A = arith.maxsi %jit3A, %sub3A_0 : i32
    %min3A = arith.minsi %jit3A_1, %max3A : i32
    %get3A = arith.index_cast %min3A : i32 to index
    %get3A_2 = memref.load %arg1[%get3A] : memref<16xi32, #tpu.memory_space<smem>>
    %c0_i32 = arith.constant 0 : i32
    %c0_i32_3 = arith.constant 0 : i32
    %c0_i32_4 = arith.constant 0 : i32
    return %get3A_2, %c0_i32, %c0_i32_3 : i32, i32, i32
  }
  func.func @transform_3(%arg0: i32, %arg1: memref<16xi32, #tpu.memory_space<smem>>, %arg2: memref<16xi32, #tpu.memory_space<smem>>) -> (i32, i32, i32) {
    %min3A = arith.constant 7 : i32
    %min3A_0 = arith.minsi %arg0, %min3A : i32
    %c0_i32 = arith.constant 0 : i32
    %c0_i32_1 = arith.constant 0 : i32
    %c0_i32_2 = arith.constant 0 : i32
    return %min3A_0, %c0_i32, %c0_i32_1 : i32, i32, i32
  }
  func.func @transform_4(%arg0: i32, %arg1: memref<16xi32, #tpu.memory_space<smem>>, %arg2: memref<16xi32, #tpu.memory_space<smem>>) -> (i32, i32, i32) {
    %min3A = arith.constant 7 : i32
    %min3A_0 = arith.minsi %arg0, %min3A : i32
    %c0_i32 = arith.constant 0 : i32
    %c0_i32_1 = arith.constant 0 : i32
    %c0_i32_2 = arith.constant 0 : i32
    return %min3A_0, %c0_i32, %c0_i32_1 : i32, i32, i32
  }
  func.func @transform_5(%arg0: i32, %arg1: memref<16xi32, #tpu.memory_space<smem>>, %arg2: memref<16xi32, #tpu.memory_space<smem>>) -> (i32, i32) {
    %c0_i32 = arith.constant 0 : i32
    %c0_i32_0 = arith.constant 0 : i32
    %c0_i32_1 = arith.constant 0 : i32
    return %c0_i32, %c0_i32_0 : i32, i32
  }
  func.func @transform_6(%arg0: i32, %arg1: memref<16xi32, #tpu.memory_space<smem>>, %arg2: memref<16xi32, #tpu.memory_space<smem>>) -> (i32, i32) {
    %c0_i32 = arith.constant 0 : i32
    %c0_i32_0 = arith.constant 0 : i32
    %c0_i32_1 = arith.constant 0 : i32
    return %c0_i32, %c0_i32_0 : i32, i32
  }
  func.func @transform_7(%arg0: i32, %arg1: memref<16xi32, #tpu.memory_space<smem>>, %arg2: memref<16xi32, #tpu.memory_space<smem>>) -> (i32, i32) {
    %c0_i32 = arith.constant 0 : i32
    %c0_i32_0 = arith.constant 0 : i32
    %c0_i32_1 = arith.constant 0 : i32
    return %c0_i32, %c0_i32_0 : i32, i32
  }
  func.func @transform_8(%arg0: i32, %arg1: memref<16xi32, #tpu.memory_space<smem>>, %arg2: memref<16xi32, #tpu.memory_space<smem>>) -> (i32, i32) {
    %c0_i32 = arith.constant 0 : i32
    %c0_i32_0 = arith.constant 0 : i32
    %c0_i32_1 = arith.constant 0 : i32
    return %c0_i32, %c0_i32_0 : i32, i32
  }
  func.func @transform_9(%arg0: i32, %arg1: memref<16xi32, #tpu.memory_space<smem>>, %arg2: memref<16xi32, #tpu.memory_space<smem>>) -> (i32, i32) {
    %c0_i32 = arith.constant 0 : i32
    %c0_i32_0 = arith.constant 0 : i32
    %c0_i32_1 = arith.constant 0 : i32
    return %c0_i32, %c0_i32_0 : i32, i32
  }
  func.func @transform_10(%arg0: i32, %arg1: memref<16xi32, #tpu.memory_space<smem>>, %arg2: memref<16xi32, #tpu.memory_space<smem>>) -> (i32, i32) {
    %c0_i32 = arith.constant 0 : i32
    %c0_i32_0 = arith.constant 0 : i32
    %c0_i32_1 = arith.constant 0 : i32
    return %c0_i32, %c0_i32_0 : i32, i32
  }
  func.func @transform_11(%arg0: i32, %arg1: memref<16xi32, #tpu.memory_space<smem>>, %arg2: memref<16xi32, #tpu.memory_space<smem>>) -> (i32, i32) {
    %c0_i32 = arith.constant 0 : i32
    %c0_i32_0 = arith.constant 0 : i32
    %c0_i32_1 = arith.constant 0 : i32
    return %c0_i32, %c0_i32_0 : i32, i32
  }
}

module attributes {stable_mosaic.version = 14 : i64} {
  func.func @_routing_body(%arg0: memref<1024x2xi32, #tpu.memory_space<vmem>>, %arg1: memref<1024x2xf32, #tpu.memory_space<vmem>>, %arg2: memref<1024x1xi32, #tpu.memory_space<vmem>>, %arg3: memref<1024x1xi32, #tpu.memory_space<vmem>>, %arg4: memref<1024x1xf32, #tpu.memory_space<vmem>>, %arg5: memref<1024x1xf32, #tpu.memory_space<vmem>>, %arg6: memref<16x1xi32, #tpu.memory_space<vmem>>, %arg7: memref<16x1xi32, #tpu.memory_space<vmem>>) attributes {dimension_semantics = [], scalar_prefetch = 0 : i64, scratch_operands = 0 : i64, tpu.core_type = #tpu.core_type<tc>} {
    %get3A = arith.constant 0 : index
    %get3A_0 = arith.constant 0 : index
    %get3A_1 = vector.load %arg0[%get3A, %get3A_0] : memref<1024x2xi32, #tpu.memory_space<vmem>>, vector<1024x2xi32>
    %get3A_2 = arith.constant 0 : index
    %get3A_3 = arith.constant 0 : index
    %get3A_4 = vector.load %arg1[%get3A_2, %get3A_3] : memref<1024x2xf32, #tpu.memory_space<vmem>>, vector<1024x2xf32>
    %slice3A = vector.extract_strided_slice %get3A_1 {offsets = [0, 0], sizes = [1024, 1], strides = [1, 1]} : vector<1024x2xi32> to vector<1024x1xi32>
    %slice3A_5 = vector.extract_strided_slice %get3A_1 {offsets = [0, 1], sizes = [1024, 1], strides = [1, 1]} : vector<1024x2xi32> to vector<1024x1xi32>
    %slice3A_6 = vector.extract_strided_slice %get3A_4 {offsets = [0, 0], sizes = [1024, 1], strides = [1, 1]} : vector<1024x2xf32> to vector<1024x1xf32>
    %swap3A = arith.constant 0 : index
    %swap3A_7 = arith.constant 0 : index
    %swap3A_8 = vector.load %arg4[%swap3A, %swap3A_7] : memref<1024x1xf32, #tpu.memory_space<vmem>>, vector<1024x1xf32>
    tpu.vector_store %arg4[%swap3A, %swap3A_7], %slice3A_6 {strides = array<i32>} : memref<1024x1xf32, #tpu.memory_space<vmem>>, vector<1024x1xf32>,
    %slice3A_9 = vector.extract_strided_slice %get3A_4 {offsets = [0, 1], sizes = [1024, 1], strides = [1, 1]} : vector<1024x2xf32> to vector<1024x1xf32>
    %swap3A_10 = arith.constant 0 : index
    %swap3A_11 = arith.constant 0 : index
    %swap3A_12 = vector.load %arg5[%swap3A_10, %swap3A_11] : memref<1024x1xf32, #tpu.memory_space<vmem>>, vector<1024x1xf32>
    tpu.vector_store %arg5[%swap3A_10, %swap3A_11], %slice3A_9 {strides = array<i32>} : memref<1024x1xf32, #tpu.memory_space<vmem>>, vector<1024x1xf32>,
    %iota3A = tpu.iota {dimensions = array<i32: 1>} : vector<1024x8xi32>
    %eq3A = vector.broadcast %slice3A : vector<1024x1xi32> to vector<1024x8xi32>
    %eq3A_13 = arith.cmpi eq, %iota3A, %eq3A : vector<1024x8xi32>
    %convert_element_type3A = arith.extui %eq3A_13 : vector<1024x8xi1> to vector<1024x8xi32>
    %convert_element_type3A_14 = arith.sitofp %convert_element_type3A : vector<1024x8xi32> to vector<1024x8xf32>
    %eq3A_15 = vector.broadcast %slice3A_5 : vector<1024x1xi32> to vector<1024x8xi32>
    %eq3A_16 = arith.cmpi eq, %iota3A, %eq3A_15 : vector<1024x8xi32>
    %convert_element_type3A_17 = arith.extui %eq3A_16 : vector<1024x8xi1> to vector<1024x8xi32>
    %convert_element_type3A_18 = arith.sitofp %convert_element_type3A_17 : vector<1024x8xi32> to vector<1024x8xf32>
    %iota3A_19 = tpu.iota {dimensions = array<i32: 0>} : vector<1024x1024xi32>
    %iota3A_20 = tpu.iota {dimensions = array<i32: 1>} : vector<1024x1024xi32>
    %lt3A = arith.cmpi slt, %iota3A_20, %iota3A_19 : vector<1024x1024xi32>
    %convert_element_type3A_21 = arith.extui %lt3A : vector<1024x1024xi1> to vector<1024x1024xi32>
    %convert_element_type3A_22 = arith.sitofp %convert_element_type3A_21 : vector<1024x1024xi32> to vector<1024x1024xf32>
    %concatenate3A = tpu.concatenate %convert_element_type3A_14, %convert_element_type3A_18 in 1 : vector<1024x8xf32>, vector<1024x8xf32> -> vector<1024x16xf32>
    %dot_general3A = arith.constant dense<0.000000e+00> : vector<1024x16xf32>
    %dot_general3A_23 = tpu.matmul %convert_element_type3A_22, %concatenate3A, %dot_general3A {dimension_numbers = #tpu.dot_dimension_numbers<[1], [0], [0], [1], [0, 0, 1, 1], [], []>, transpose_lhs_hint = false} : vector<1024x1024xf32>, vector<1024x16xf32>, vector<1024x16xf32> -> vector<1024x16xf32>
    %slice3A_24 = vector.extract_strided_slice %dot_general3A_23 {offsets = [0, 0], sizes = [1024, 8], strides = [1, 1]} : vector<1024x16xf32> to vector<1024x8xf32>
    %slice3A_25 = vector.extract_strided_slice %dot_general3A_23 {offsets = [0, 8], sizes = [1024, 8], strides = [1, 1]} : vector<1024x16xf32> to vector<1024x8xf32>
    %reduce_sum3A = arith.constant dense<0.000000e+00> : vector<8xf32>
    %reduce_sum3A_26 = vector.multi_reduction <add>, %convert_element_type3A_14, %reduce_sum3A [0] : vector<1024x8xf32> to vector<8xf32>
    %broadcast_in_dim3A = vector.shape_cast %reduce_sum3A_26 : vector<8xf32> to vector<1x8xf32>
    %reduce_sum3A_27 = arith.constant dense<0.000000e+00> : vector<8xf32>
    %reduce_sum3A_28 = vector.multi_reduction <add>, %convert_element_type3A_18, %reduce_sum3A_27 [0] : vector<1024x8xf32> to vector<8xf32>
    %broadcast_in_dim3A_29 = vector.shape_cast %reduce_sum3A_28 : vector<8xf32> to vector<1x8xf32>
    %add3A = arith.addf %broadcast_in_dim3A, %broadcast_in_dim3A_29 : vector<1x8xf32>
    %add3A_30 = arith.constant 2.550000e+02 : f32
    %add3A_31 = vector.broadcast %add3A_30 : f32 to vector<1x8xf32>
    %add3A_32 = arith.addf %add3A, %add3A_31 : vector<1x8xf32>
    %mul3A = arith.constant 3.906250e-03 : f32
    %mul3A_33 = vector.broadcast %mul3A : f32 to vector<1x8xf32>
    %mul3A_34 = arith.mulf %add3A_32, %mul3A_33 : vector<1x8xf32>
    %floor3A = math.floor %mul3A_34 : vector<1x8xf32>
    %mul3A_35 = arith.constant 2.560000e+02 : f32
    %mul3A_36 = vector.broadcast %mul3A_35 : f32 to vector<1x8xf32>
    %mul3A_37 = arith.mulf %floor3A, %mul3A_36 : vector<1x8xf32>
    %iota3A_38 = tpu.iota {dimensions = array<i32: 0>} : vector<8x8xi32>
    %iota3A_39 = tpu.iota {dimensions = array<i32: 1>} : vector<8x8xi32>
    %lt3A_40 = arith.cmpi slt, %iota3A_38, %iota3A_39 : vector<8x8xi32>
    %convert_element_type3A_41 = arith.extui %lt3A_40 : vector<8x8xi1> to vector<8x8xi32>
    %convert_element_type3A_42 = arith.sitofp %convert_element_type3A_41 : vector<8x8xi32> to vector<8x8xf32>
    %dot_general3A_43 = arith.constant dense<0.000000e+00> : vector<1x8xf32>
    %dot_general3A_44 = tpu.matmul %mul3A_37, %convert_element_type3A_42, %dot_general3A_43 {dimension_numbers = #tpu.dot_dimension_numbers<[1], [0], [0], [1], [0, 0, 1, 1], [], []>, transpose_lhs_hint = false} : vector<1x8xf32>, vector<8x8xf32>, vector<1x8xf32> -> vector<1x8xf32>
    %mul3A_45 = arith.mulf %slice3A_24, %convert_element_type3A_14 : vector<1024x8xf32>
    %reduce_sum3A_46 = arith.constant dense<0.000000e+00> : vector<1024xf32>
    %reduce_sum3A_47 = vector.multi_reduction <add>, %mul3A_45, %reduce_sum3A_46 [1] : vector<1024x8xf32> to vector<1024xf32>
    %broadcast_in_dim3A_48 = vector.shape_cast %reduce_sum3A_47 : vector<1024xf32> to vector<1024x1xf32>
    %add3A_49 = vector.broadcast %broadcast_in_dim3A : vector<1x8xf32> to vector<1024x8xf32>
    %add3A_50 = arith.addf %add3A_49, %slice3A_25 : vector<1024x8xf32>
    %mul3A_51 = arith.mulf %add3A_50, %convert_element_type3A_18 : vector<1024x8xf32>
    %reduce_sum3A_52 = arith.constant dense<0.000000e+00> : vector<1024xf32>
    %reduce_sum3A_53 = vector.multi_reduction <add>, %mul3A_51, %reduce_sum3A_52 [1] : vector<1024x8xf32> to vector<1024xf32>
    %broadcast_in_dim3A_54 = vector.shape_cast %reduce_sum3A_53 : vector<1024xf32> to vector<1024x1xf32>
    %mul3A_55 = vector.broadcast %dot_general3A_44 : vector<1x8xf32> to vector<1024x8xf32>
    %mul3A_56 = arith.mulf %mul3A_55, %convert_element_type3A_14 : vector<1024x8xf32>
    %reduce_sum3A_57 = arith.constant dense<0.000000e+00> : vector<1024xf32>
    %reduce_sum3A_58 = vector.multi_reduction <add>, %mul3A_56, %reduce_sum3A_57 [1] : vector<1024x8xf32> to vector<1024xf32>
    %broadcast_in_dim3A_59 = vector.shape_cast %reduce_sum3A_58 : vector<1024xf32> to vector<1024x1xf32>
    %mul3A_60 = vector.broadcast %dot_general3A_44 : vector<1x8xf32> to vector<1024x8xf32>
    %mul3A_61 = arith.mulf %mul3A_60, %convert_element_type3A_18 : vector<1024x8xf32>
    %reduce_sum3A_62 = arith.constant dense<0.000000e+00> : vector<1024xf32>
    %reduce_sum3A_63 = vector.multi_reduction <add>, %mul3A_61, %reduce_sum3A_62 [1] : vector<1024x8xf32> to vector<1024xf32>
    %broadcast_in_dim3A_64 = vector.shape_cast %reduce_sum3A_63 : vector<1024xf32> to vector<1024x1xf32>
    %add3A_65 = arith.addf %broadcast_in_dim3A_59, %broadcast_in_dim3A_48 : vector<1024x1xf32>
    %convert_element_type3A_66 = arith.fptosi %add3A_65 : vector<1024x1xf32> to vector<1024x1xi32>
    %swap3A_67 = arith.constant 0 : index
    %swap3A_68 = arith.constant 0 : index
    %swap3A_69 = vector.load %arg2[%swap3A_67, %swap3A_68] : memref<1024x1xi32, #tpu.memory_space<vmem>>, vector<1024x1xi32>
    tpu.vector_store %arg2[%swap3A_67, %swap3A_68], %convert_element_type3A_66 {strides = array<i32>} : memref<1024x1xi32, #tpu.memory_space<vmem>>, vector<1024x1xi32>,
    %add3A_70 = arith.addf %broadcast_in_dim3A_64, %broadcast_in_dim3A_54 : vector<1024x1xf32>
    %convert_element_type3A_71 = arith.fptosi %add3A_70 : vector<1024x1xf32> to vector<1024x1xi32>
    %swap3A_72 = arith.constant 0 : index
    %swap3A_73 = arith.constant 0 : index
    %swap3A_74 = vector.load %arg3[%swap3A_72, %swap3A_73] : memref<1024x1xi32, #tpu.memory_space<vmem>>, vector<1024x1xi32>
    tpu.vector_store %arg3[%swap3A_72, %swap3A_73], %convert_element_type3A_71 {strides = array<i32>} : memref<1024x1xi32, #tpu.memory_space<vmem>>, vector<1024x1xi32>,
    %iota3A_75 = tpu.iota {dimensions = array<i32: 0>} : vector<16x8xi32>
    %convert_element_type3A_76 = arith.sitofp %iota3A_75 : vector<16x8xi32> to vector<16x8xf32>
    %mul3A_77 = arith.constant 2.560000e+02 : f32
    %mul3A_78 = vector.broadcast %mul3A_77 : f32 to vector<16x8xf32>
    %mul3A_79 = arith.mulf %convert_element_type3A_76, %mul3A_78 : vector<16x8xf32>
    %broadcast_in_dim3A_80 = arith.constant 0.000000e+00 : f32
    %broadcast_in_dim3A_81 = vector.broadcast %broadcast_in_dim3A_80 : f32 to vector<16x8xf32>
    %add3A_82 = vector.broadcast %dot_general3A_44 : vector<1x8xf32> to vector<16x8xf32>
    %add3A_83 = arith.addf %add3A_82, %broadcast_in_dim3A_81 : vector<16x8xf32>
    %le3A = arith.cmpf ole, %add3A_83, %mul3A_79 : vector<16x8xf32>
    %convert_element_type3A_84 = arith.extui %le3A : vector<16x8xi1> to vector<16x8xi32>
    %reduce_sum3A_85 = arith.constant dense<0> : vector<16xi32>
    %reduce_sum3A_86 = vector.multi_reduction <add>, %convert_element_type3A_84, %reduce_sum3A_85 [1] : vector<16x8xi32> to vector<16xi32>
    %broadcast_in_dim3A_87 = vector.shape_cast %reduce_sum3A_86 : vector<16xi32> to vector<16x1xi32>
    %sub3A = arith.constant 1 : i32
    %sub3A_88 = vector.broadcast %sub3A : i32 to vector<16x1xi32>
    %sub3A_89 = arith.subi %broadcast_in_dim3A_87, %sub3A_88 : vector<16x1xi32>
    %swap3A_90 = arith.constant 0 : index
    %swap3A_91 = arith.constant 0 : index
    %swap3A_92 = vector.load %arg6[%swap3A_90, %swap3A_91] : memref<16x1xi32, #tpu.memory_space<vmem>>, vector<16x1xi32>
    tpu.vector_store %arg6[%swap3A_90, %swap3A_91], %sub3A_89 {strides = array<i32>} : memref<16x1xi32, #tpu.memory_space<vmem>>, vector<16x1xi32>,
    %iota3A_93 = tpu.iota {dimensions = array<i32: 1>} : vector<16x8xi32>
    %eq3A_94 = vector.broadcast %sub3A_89 : vector<16x1xi32> to vector<16x8xi32>
    %eq3A_95 = arith.cmpi eq, %iota3A_93, %eq3A_94 : vector<16x8xi32>
    %convert_element_type3A_96 = arith.extui %eq3A_95 : vector<16x8xi1> to vector<16x8xi32>
    %convert_element_type3A_97 = arith.sitofp %convert_element_type3A_96 : vector<16x8xi32> to vector<16x8xf32>
    %add3A_98 = arith.addf %dot_general3A_44, %add3A : vector<1x8xf32>
    %mul3A_99 = vector.broadcast %add3A_98 : vector<1x8xf32> to vector<16x8xf32>
    %mul3A_100 = arith.mulf %mul3A_99, %convert_element_type3A_97 : vector<16x8xf32>
    %reduce_sum3A_101 = arith.constant dense<0.000000e+00> : vector<16xf32>
    %reduce_sum3A_102 = vector.multi_reduction <add>, %mul3A_100, %reduce_sum3A_101 [1] : vector<16x8xf32> to vector<16xf32>
    %broadcast_in_dim3A_103 = vector.shape_cast %reduce_sum3A_102 : vector<16xf32> to vector<16x1xf32>
    %iota3A_104 = tpu.iota {dimensions = array<i32: 0>} : vector<16x1xi32>
    %convert_element_type3A_105 = arith.sitofp %iota3A_104 : vector<16x1xi32> to vector<16x1xf32>
    %mul3A_106 = arith.constant 2.560000e+02 : f32
    %mul3A_107 = vector.broadcast %mul3A_106 : f32 to vector<16x1xf32>
    %mul3A_108 = arith.mulf %convert_element_type3A_105, %mul3A_107 : vector<16x1xf32>
    %sub3A_109 = arith.subf %broadcast_in_dim3A_103, %mul3A_108 : vector<16x1xf32>
    %jit3A = arith.constant 0.000000e+00 : f32
    %jit3A_110 = arith.constant 2.560000e+02 : f32
    %max3A = vector.broadcast %jit3A : f32 to vector<16x1xf32>
    %max3A_111 = arith.maximumf %max3A, %sub3A_109 : vector<16x1xf32>
    %min3A = vector.broadcast %jit3A_110 : f32 to vector<16x1xf32>
    %min3A_112 = arith.minimumf %min3A, %max3A_111 : vector<16x1xf32>
    %convert_element_type3A_113 = arith.fptosi %min3A_112 : vector<16x1xf32> to vector<16x1xi32>
    %swap3A_114 = arith.constant 0 : index
    %swap3A_115 = arith.constant 0 : index
    %swap3A_116 = vector.load %arg7[%swap3A_114, %swap3A_115] : memref<16x1xi32, #tpu.memory_space<vmem>>, vector<16x1xi32>
    tpu.vector_store %arg7[%swap3A_114, %swap3A_115], %convert_element_type3A_113 {strides = array<i32>} : memref<16x1xi32, #tpu.memory_space<vmem>>, vector<16x1xi32>,
    return
  }
}

</mosaic_0001>

<sc_bundles>
// kernel: kernel.6.cloned.1.call-start
scs
__scs_entry_jumppad:
0x0: {  	(pc) =	sbr.rel $0x88, $3  }
0x1: {  	(tag) =	ssettag $0x0;
	lr =	simm.s32 $0x1  }
0x2: {  	[smem:$0x3F90] =	sst lr;
	_ =	strace $0xD0000000  }
0x3: {  	_ = 	snop  }
0x4: {  	_ = 	snop  }
0x5: {  	_ = 	snop  }
0x6: {  	_ = 	snop  }
0x7: {  	_ = 	snop  }
__scs_overlays_trampoline_lowered:
0x8: {  	[smem:$0x3F9F] =	sst s0  }
0x9: {  	[smem:$0x3FA0] =	sst s1  }
0xa: {  	[smem:$0x3FA1] =	sst s2  }
0xb: {  	[smem:$0x3FA2] =	sst s3  }
0xc: {  	[smem:$0x3FA3] =	sst s4  }
0xd: {  	[smem:$0x3FA4] =	sst s5  }
0xe: {  	[smem:$0x3FA5] =	sst s6  }
0xf: {  	[smem:$0x3FA6] =	sst s7  }
0x10: {  	[smem:$0x3FA7] =	sst s8  }
0x11: {  	[smem:$0x3FA8] =	sst s9;
	s0 =	simm.s32 @!p0 $0x0  }
0x12: {  	s1 =	sld [smem:$0x3F8E];
	s0 =	simm.s32 @p0 $0x1  }
0x13: {  	[smem:$0x3FA9] =	sst s0;
	s0 =	simm.s32 @!p1 $0x0  }
0x14: {  	s2 =	sld [smem:$0x3F8D];
	s0 =	simm.s32 @p1 $0x1  }
0x15: {  	[smem:$0x3FAA] =	sst s0;
	s0 =	simm.s32 @!p2 $0x0  }
0x16: {  	s3 =	sld [smem:$0x3FDB];
	s0 =	simm.s32 @p2 $0x1  }
0x17: {  	s4 =	simm.s32 $0x1BF5;
	[smem:$0x3FAC] =	sst s0  }
0x18: {  	s0 =	sld [smem:$0x3F8F];
	_ =	swait.ge [sflag:s4], $0x0  }
0x19: {  	s7 =	sld [smem:$0x3F90]  }
0x1a: {  	s8 =	sadd.s32 $0xFFFFE003, lr  }
0x1b: {  	s9 =	sadd.s32 $0xFFFFFEF7, lr;
	s5 =	simm.s32 $0xFFFFFFFF;
	p2 =	slt.u32 s8, $0xFFFFF086  }
0x1c: {  	p1 =	slt.u32 s9, $0xF7A;
	s5 =	simm.s32 @!p2 $0x0  }
0x1d: {  	s5 =	simm.s32 @p1 $0x1;
	p0 =	seq.s32 s7, s2  }
0x1e: {  	s7 =	smul.u32 @!p0 $0xF7A, s2;
	p2 =	seq.s32 @!p0 s5, $0x0  }
0x1f: {  	s9 =	smul.u32 $0xF7A, s1;
	s8 =	simm.s32 @!p0 $0x1BF5;
	p2 =	por !p2, p0  }
0x20: {  	[sflag:s8] =	ssyncset.s32 @!p0 $0xFFFFF086;
	s6 =	sadd.s32 @!p0 s3, s7;
	s7 =	simm.s32 @!p0 $0x108  }
0x21: {  	s3 =	sadd.s32 s3, s9;
	s6 =	sadd.s32 @!p0 $0x88, s6;
	s7 =	simm.s32 @p2 $0x1082  }
0x22: {  	[simem:s7], [sflag:s8] =	dma.local @!p0 [hbm:s6], $0xF7A  }
0x23: {  	s9 =	sor.u32 $0xD0000000, s2;
	s6 =	simm.s32 $0x108;
	_ =	swait.ge @!p0 [sflag:s8], $0x0  }
0x24: {  	s3 =	sadd.s32 $0x88, s3;
	s6 =	simm.s32 @!p1 $0x1082;
	[sflag:s4] =	ssyncset.s32 $0xFFFFF086  }
0x25: {  	[simem:s6], [sflag:s4] =	dma.local [hbm:s3], $0xF7A  }
0x26: {  	[smem:$0x3F90] =	sst s1;
	(tag) =	ssettag s2;
	_ =	strace s9  }
0x27: {  	s1 =	sld [smem:$0x3FA0]  }
0x28: {  	s2 =	sld [smem:$0x3FA1]  }
0x29: {  	s4 =	sld [smem:$0x3FA3]  }
0x2a: {  	p0 =	seq.s32 s5, $0x0;
	s5 =	sld [smem:$0x3FA4]  }
0x2b: {  	s6 =	sld [smem:$0x3FA5]  }
0x2c: {  	s7 =	sld [smem:$0x3FA6]  }
0x2d: {  	s3 =	simm.s32 $0x108;
	s8 =	sld [smem:$0x3FA7]  }
0x2e: {  	s3 =	simm.s32 @!p0 $0x1082;
	s9 =	sld [smem:$0x3FA8]  }
0x2f: {  	lr =	sadd.s32 s0, s3;
	s0 =	sld [smem:$0x3F9F]  }
0x30: {  	s3 =	sld [smem:$0x3FA2]  }
0x31: {  	[smem:$0x3FAB] =	sst s10  }
0x32: {  	s10 =	sld [smem:$0x3FA9];
	_ =	sdelay $0x3  }
0x33: {  	p0 =	seq.s32 s10, $0x1;
	s10 =	sld [smem:$0x3FAB];
	_ =	sdelay $0x3  }
0x34: {  	[smem:$0x3FAB] =	sst s10  }
0x35: {  	s10 =	sld [smem:$0x3FAA];
	_ =	sdelay $0x3  }
0x36: {  	p1 =	seq.s32 s10, $0x1;
	s10 =	sld [smem:$0x3FAB];
	_ =	sdelay $0x3  }
0x37: {  	[smem:$0x3FAB] =	sst s10  }
0x38: {  	s10 =	sld [smem:$0x3FAC]  }
0x39: {  	_ = 	snop;
	(pc) =	sbr.ind lr, $3  }
0x3a: {  	_ = 	snop  }
0x3b: {  	_ = 	snop  }
0x3c: {  	p2 =	seq.s32 s10, $0x1;
	s10 =	sld [smem:$0x3FAB]  }
0x3d: {  	_ =	shalt  }
0x3e: {  	_ =	shalt  }
0x3f: {  	_ =	shalt  }
0x40: {  	_ =	shalt  }
0x41: {  	_ =	shalt  }
0x42: {  	_ =	shalt  }
0x43: {  	_ =	shalt  }
0x44: {  	_ =	shalt  }
0x45: {  	_ =	shalt  }
0x46: {  	_ =	shalt  }
0x47: {  	_ =	shalt  }
0x48: {  	_ =	shalt  }
0x49: {  	_ =	shalt  }
0x4a: {  	_ =	shalt  }
0x4b: {  	_ =	shalt  }
0x4c: {  	_ =	shalt  }
0x4d: {  	_ =	shalt  }
0x4e: {  	_ =	shalt  }
0x4f: {  	_ =	shalt  }
0x50: {  	_ =	shalt  }
0x51: {  	_ =	shalt  }
0x52: {  	_ =	shalt  }
0x53: {  	_ =	shalt  }
0x54: {  	_ =	shalt  }
0x55: {  	_ =	shalt  }
0x56: {  	_ =	shalt  }
0x57: {  	_ =	shalt  }
0x58: {  	_ =	shalt  }
0x59: {  	_ =	shalt  }
0x5a: {  	_ =	shalt  }
0x5b: {  	_ =	shalt  }
0x5c: {  	_ =	shalt  }
0x5d: {  	_ =	shalt  }
0x5e: {  	_ =	shalt  }
0x5f: {  	_ =	shalt  }
0x60: {  	_ =	shalt  }
0x61: {  	_ =	shalt  }
0x62: {  	_ =	shalt  }
0x63: {  	_ =	shalt  }
0x64: {  	_ =	shalt  }
0x65: {  	_ =	shalt  }
0x66: {  	_ =	shalt  }
0x67: {  	_ =	shalt  }
0x68: {  	_ =	shalt  }
0x69: {  	_ =	shalt  }
0x6a: {  	_ =	shalt  }
0x6b: {  	_ =	shalt  }
0x6c: {  	_ =	shalt  }
0x6d: {  	_ =	shalt  }
0x6e: {  	_ =	shalt  }
0x6f: {  	_ =	shalt  }
0x70: {  	_ =	shalt  }
0x71: {  	_ =	shalt  }
0x72: {  	_ =	shalt  }
0x73: {  	_ =	shalt  }
0x74: {  	_ =	shalt  }
0x75: {  	_ =	shalt  }
0x76: {  	_ =	shalt  }
0x77: {  	_ =	shalt  }
0x78: {  	_ =	shalt  }
0x79: {  	_ =	shalt  }
0x7a: {  	_ =	shalt  }
0x7b: {  	_ =	shalt  }
0x7c: {  	_ =	shalt  }
0x7d: {  	_ =	shalt  }
0x7e: {  	_ =	shalt  }
0x7f: {  	_ =	shalt  }
0x80: {  	_ =	shalt  }
0x81: {  	_ =	shalt  }
0x82: {  	_ =	shalt  }
0x83: {  	_ =	shalt  }
0x84: {  	_ =	shalt  }
0x85: {  	_ =	shalt  }
0x86: {  	_ =	shalt  }
0x87: {  	_ =	shalt  }
.Lfunc_end0:
.L_simem_size_0:
called_computation_lowered:
.L_overlay_start_0:
0x88: {  	s2 =	sld [smem:$0x3FD9]  }
0x89: {  	s3 =	sld [smem:$0x3FFE];
	_ =	sdelay $0x1  }
0x8a: {  	s1 =	srdreg.scid  }
0x8b: {  	s0 =	sand.u32 $0x1, s1  }
0x8c: {  	s17 =	sshll.u32 s0, $0xA;
	s2 =	sadd.s32 s3, s2  }
0x8d: {  	s2 =	sadd.s32 s2, s17  }
0x8e: {  	[smem:$0x3FB7] =	sst s2  }
0x8f: {  	_ = 	snop  }
0x90: {  	s2 =	sld [smem:$0x3FD0];
	(tm) =	ssettm $0x1  }
0x91: {  	s18 =	sld [smem:$0x3FFB];
	_ =	sdelay $0x3  }
0x92: {  	_ =	strace s18  }
0x93: {  	s3 =	sld [smem:$0x3FFC];
	_ =	sdelay $0x3  }
0x94: {  	_ =	strace s3  }
0x95: {  	s3 =	sld [smem:$0x3FFD];
	_ =	sdelay $0x3  }
0x96: {  	_ =	strace s3  }
0x97: {  	_ =	strace $0x8FFFFFFF  }
0x98: {  	s19 =	sld [smem:$0x3FDB];
	_ =	sdelay $0x1  }
0x99: {  	s4 =	simm.s32 $_scs_section_size  }
0x9a: {  	s5 =	simm.s32 $_size__tile_overlayer_lowered;
	s6 =	simm.s32 $_tile_overlayer_lowered  }
0x9b: {  	s22 =	simm.s32 $0x1BFF;
	s21 =	sshll.u32 s6, $0x1;
	s3 =	sadd.s32 s4, s19  }
0x9c: {  	s7 =	simm.s32 $0x0;
	s20 =	sshll.u32 s5, $0x1;
	s5 =	sadd.s32 s21, s3  }
0x9d: {  	[timem:s7], [sflag:s22] =	dma.local [hbm:s5], s20  }
0x9e: {  	_ =	swait.ge [sflag:s22], s20  }
0x9f: {  	s4 =	ssub.s32 $0x0, s20;
	[sflag:s22] =	ssyncset.done $0x0  }
0xa0: {  	[sflag:s22] =	ssyncadd.s32 s4;
	_ =	sdelay $0x1  }
0xa1: {  	s23 =	simm.s32 $0x1B8B  }
0xa2: {  	_ =	swait.ge [sflag:s23], $0x1  }
0xa3: {  	[sflag:s23] =	ssyncset.done $0x0  }
0xa4: {  	s25 =	simm.s32 $0x1B8E;
	s24 =	sld [smem:$0x3FFE];
	[sflag:s23] =	ssyncadd.s32 $0xFFFFFFFF  }
0xa5: {  	s26 =	simm.s32 $execute0_lowered;
	[smem:$0x3FD2] =	sst s25  }
0xa6: {  	s5 =	sshll.u32 s26, $0x1;
	_ =	strace $0x80000046;
	[dreg:$0x1] =	wrdreg $0xFFFFFFFF  }
0xa7: {  	s28 =	simm.s32 $_size_execute0_lowered;
	s3 =	sadd.s32 s3, s5;
	[dreg:$0x0] =	wrdreg $0x0  }
0xa8: {  	s5 =	sshll.u32 s28, $0x1;
	[dreg:$0x2] =	wrdreg s3  }
0xa9: {  	[dreg:$0x3] =	wrdreg s5  }
0xaa: {  	[dreg:$0x4] =	wrdreg $0xC0  }
0xab: {  	_ =	task [dreg:s7], $0x5FFFF  }
0xac: {  	[dreg:$0x1] =	wrdreg $0xFFFFFFFF  }
0xad: {  	[dreg:$0x0] =	wrdreg $0x60  }
0xae: {  	[dreg:$0x2] =	wrdreg s24  }
0xaf: {  	[dreg:$0x3] =	wrdreg s2  }
0xb0: {  	[dreg:$0x4] =	wrdreg $0x9  }
0xb1: {  	_ =	task.clear_ibuf [dreg:s7], $0x5FFFF;
	_ =	strace $0x90000046  }
0xb2: {  	s29 =	simm.s32 $0x9;
	_ =	strace $0x80000048  }
0xb3: {  	_ =	swait.ge [sflag:s29], $0x1  }
0xb4: {  	[sflag:s29] =	ssyncadd.s32 $0xFFFFFFFF  }
0xb5: {  	_ =	strace $0x90000048  }
0xb6: {  	_ =	sfence  }
0xb7: {  	s30 =	sld [smem:$0x0];
	_ =	sdelay $0x2  }
0xb8: {  	s31 =	sshll.u32 s1, $0xD;
	s1 =	sshrl.u32 s1, $0x2  }
0xb9: {  	s3 =	sand.u32 $0x4000, s31;
	s1 =	sadd.s32 s1, s30  }
0xba: {  	s0 =	sor.u32 s3, s0;
	s1 =	sshll.u32 s1, $0x11  }
0xbb: {  	s0 =	sor.u32 s1, s0  }
0xbc: {  	s0 =	sadd.s32 $0x8F2B, s0  }
0xbd: {  	[sflag:s0] =	ssyncadd.remote.s32 $0x1  }
0xbe: {  	_ =	sfence.sel $0xFFFF  }
0xbf: {  	[dreg:$0x0] =	wrdreg $0xFFFFFFFF;
	(pc) =	sbr.abs _section_cstart, $3  }
0xc0: {  	[dreg:$0x1] =	wrdreg $0xFFFFFFFF  }
0xc1: {  	_ =	task.clear_ibuf [dreg:s7], $0x2FFFF;
	_ =	strace $0x9FFFFFFF  }
0xc2: {  	(tm) =	ssettm $0x7FFFFFFF  }
0xc3: {  	_ =	shalt  }
tec
execute0_lowered:
.L_overlay_start_1:
0x0: {  	(tag) =	ssettag $0x1  }
0x1: {  	s8 =	rddreg [dreg:$0x0]  }
0x2: {  	s4 =	rddreg [dreg:$0x1]  }
0x3: {  	s0 =	rddreg [dreg:$0x2];
	s3 =	srdreg.scid  }
0x4: {  	s2 =	simm.s32 $0x0;
	s1 =	stileid.u32;
	s11 =	simm.s32 $0x6080  }
0x5: {  	s12 =	simm.s32 $0x1;
	s13 =	simm.s32 $0x2;
	s14 =	simm.s32 $0x3  }
0x6: {  	s15 =	simm.s32 $0x800;
	s16 =	simm.s32 $0x1000;
	s17 =	simm.s32 $0x1800  }
0x7: {  	s18 =	simm.s32 $0x2000;
	s19 =	simm.s32 $0x2800;
	s20 =	simm.s32 $0x3000  }
0x8: {  	s21 =	simm.s32 $0x3800;
	s22 =	simm.s32 $0x4000;
	s23 =	simm.s32 $0x4800  }
0x9: {  	s24 =	simm.s32 $0x5000;
	s25 =	simm.s32 $0x5800;
	s3 =	sand.u32 $0x1, s3  }
0xa: {  	[smem:$0x7FF] =	sst s2;
	s5 =	sshll.u32 s1, $0x3;
	s6 =	sshll.u32 s3, $0x2  }
0xb: {  	_ =	strace $0x80000047;
	s31 =	ssub.s32 $0x2, s3;
	s5 =	sor.u32 s6, s5  }
0xc: {  	s3 =	sadd.s32 $0x18200, s8;
	s9 =	sshrl.u32 s31, $0x1;
	s7 =	sadd.s32 s5, s8  }
0xd: {  	v2 =	vlaneseq.u32;
	s10 =	smul.u32 $0x300, s5;
	s9 =	ssub.s32 s31, s9;
	s4 =	sadd.s32 s4, s5  }
0xe: {  	vm0 =	vmmov $0xffff;
	v1 =	vshrl.u32 v2, $0x3;
	s5 =	sadd.s32 $0x18000, s7;
	s7 =	sadd.s32 $0x18300, s8;
	s9 =	smax.u32 s9, $0x1  }
0xf: {  	v0 =	vand.u32 $0x7, v2;
	v2 =	vor.u32 $0x8, v2;
	v1 =	vmul.u32 $0x8, v1;
	s6 =	sadd.s32 s8, s10;
	s8 =	sadd.s32 $0x18400, s8;
	s10 =	simm.s32 $0x6000  }
.LBB2_1:
0x10: {  	[tilespmem:s10], [sflag:$0x1] =	stream.linear.gather [hbm4b:s4+s2], $0x20, $0x38;
	[tilespmem:$0x6100] =	vst v63  }
0x11: {  	_ = 	snop  }
0x12: {  	[tilespmem:s11], [sflag:$0x2] =	stream.linear.gather [hbm4b:s5+s2], $0x20, $0x38;
	[tilespmem:$0x6100] =	vst v63  }
0x13: {  	_ = 	snop  }
0x14: {  	[tilespmem:s2], [sflag:$0x3] =	stream.linear.gather [hbm4b:s6+s2], $0x6000, $0x38;
	[tilespmem:$0x6100] =	vst v63  }
0x15: {  	_ =	swait.ge [sflag:s12], $0x20  }
0x16: {  	[sflag:s12] =	ssyncset.done $0x0  }
0x17: {  	[sflag:s12] =	ssyncadd.s32 $0xFFFFFFE0  }
0x18: {  	_ =	swait.ge [sflag:s13], $0x20  }
0x19: {  	[sflag:s13] =	ssyncset.done $0x0  }
0x1a: {  	[sflag:s13] =	ssyncadd.s32 $0xFFFFFFE0  }
0x1b: {  	_ =	swait.ge [sflag:s14], $0x6000  }
0x1c: {  	[sflag:s14] =	ssyncset.done $0x0  }
0x1d: {  	[sflag:s14] =	ssyncadd.s32 $0xFFFFA000  }
0x1e: {  	v3 =	vld [tilespmem:$0x6000];
	_ =	sdelay $0x4  }
0x1f: {  	v4 =	vshrl.u32 v3, $0x3  }
0x20: {  	v4 =	vmul.u32 $0x30, v4  }
0x21: {  	v3 =	vand.u32 $0x7, v3  }
0x22: {  	v3 =	vor.u32 v3, v4  }
0x23: {  	v4 =	vperm.xlane v3, v0;
	_ =	sdelay $0x1  }
0x24: {  	v4 =	vadd.s32 v1, v4;
	_ =	sdelay $0x3  }
0x25: {  	v3 =	vperm.xlane v3, v2  }
0x26: {  	[hbm4b:s3+s2] =	stream.indirect_vreg.scatter [tilespmem:s2], [sflag:$0x1], $0x80, v4, vm0, $0xb8;
	[tilespmem:$0x6100] =	vst v63  }
0x27: {  	v3 =	vadd.s32 v1, v3  }
0x28: {  	[hbm4b:s7+s2] =	stream.indirect_vreg.scatter [tilespmem:s15], [sflag:$0x1], $0x80, v4, vm0, $0xb8;
	[tilespmem:$0x6100] =	vst v63  }
0x29: {  	_ = 	snop  }
0x2a: {  	[hbm4b:s8+s2] =	stream.indirect_vreg.scatter [tilespmem:s16], [sflag:$0x1], $0x80, v4, vm0, $0xb8;
	[tilespmem:$0x6100] =	vst v63  }
0x2b: {  	_ = 	snop  }
0x2c: {  	[hbm4b:s3+s2] =	stream.indirect_vreg.scatter [tilespmem:s17], [sflag:$0x1], $0x80, v3, vm0, $0xb8;
	[tilespmem:$0x6100] =	vst v63  }
0x2d: {  	_ = 	snop  }
0x2e: {  	[hbm4b:s7+s2] =	stream.indirect_vreg.scatter [tilespmem:s18], [sflag:$0x1], $0x80, v3, vm0, $0xb8;
	[tilespmem:$0x6100] =	vst v63  }
0x2f: {  	_ = 	snop  }
0x30: {  	[hbm4b:s8+s2] =	stream.indirect_vreg.scatter [tilespmem:s19], [sflag:$0x1], $0x80, v3, vm0, $0xb8;
	[tilespmem:$0x6100] =	vst v63  }
0x31: {  	v3 =	vld [tilespmem:$0x6010];
	_ =	sdelay $0x4  }
0x32: {  	v61 =	vshrl.u32 v3, $0x3  }
0x33: {  	v4 =	vmul.u32 $0x30, v61  }
0x34: {  	v3 =	vand.u32 $0x7, v3  }
0x35: {  	v3 =	vor.u32 v3, v4  }
0x36: {  	v4 =	vperm.xlane v3, v0;
	_ =	sdelay $0x1  }
0x37: {  	v4 =	vadd.s32 v1, v4;
	_ =	sdelay $0x3  }
0x38: {  	v3 =	vperm.xlane v3, v2  }
0x39: {  	[hbm4b:s3+s2] =	stream.indirect_vreg.scatter [tilespmem:s20], [sflag:$0x1], $0x80, v4, vm0, $0xb8;
	[tilespmem:$0x6100] =	vst v63  }
0x3a: {  	v3 =	vadd.s32 v1, v3  }
0x3b: {  	[hbm4b:s7+s2] =	stream.indirect_vreg.scatter [tilespmem:s21], [sflag:$0x1], $0x80, v4, vm0, $0xb8;
	[tilespmem:$0x6100] =	vst v63  }
0x3c: {  	_ = 	snop  }
0x3d: {  	[hbm4b:s8+s2] =	stream.indirect_vreg.scatter [tilespmem:s22], [sflag:$0x1], $0x80, v4, vm0, $0xb8;
	[tilespmem:$0x6100] =	vst v63  }
0x3e: {  	_ = 	snop  }
0x3f: {  	[hbm4b:s3+s2] =	stream.indirect_vreg.scatter [tilespmem:s23], [sflag:$0x1], $0x80, v3, vm0, $0xb8;
	[tilespmem:$0x6100] =	vst v63  }
0x40: {  	_ = 	snop  }
0x41: {  	[hbm4b:s7+s2] =	stream.indirect_vreg.scatter [tilespmem:s24], [sflag:$0x1], $0x80, v3, vm0, $0xb8;
	[tilespmem:$0x6100] =	vst v63  }
0x42: {  	_ = 	snop  }
0x43: {  	[hbm4b:s8+s2] =	stream.indirect_vreg.scatter [tilespmem:s25], [sflag:$0x1], $0x80, v3, vm0, $0xb8;
	[tilespmem:$0x6100] =	vst v63  }
0x44: {  	v3 =	vld [tilespmem:$0x6080];
	_ =	sdelay $0x4  }
0x45: {  	v62 =	vshrl.u32 v3, $0x3  }
0x46: {  	v4 =	vmul.u32 $0x30, v62  }
0x47: {  	v3 =	vand.u32 $0x7, v3  }
0x48: {  	v3 =	vor.u32 v3, v4  }
0x49: {  	v4 =	vperm.xlane v3, v0;
	_ =	sdelay $0x1  }
0x4a: {  	v4 =	vadd.s32 v1, v4;
	_ =	sdelay $0x3  }
0x4b: {  	v3 =	vperm.xlane v3, v2  }
0x4c: {  	[hbm4b:s3+s2] =	stream.indirect_vreg.scatter [tilespmem:s2], [sflag:$0x2], $0x80, v4, vm0, $0xb8;
	[tilespmem:$0x6100] =	vst v63  }
0x4d: {  	v3 =	vadd.s32 v1, v3  }
0x4e: {  	[hbm4b:s7+s2] =	stream.indirect_vreg.scatter [tilespmem:s15], [sflag:$0x2], $0x80, v4, vm0, $0xb8;
	[tilespmem:$0x6100] =	vst v63  }
0x4f: {  	_ = 	snop  }
0x50: {  	[hbm4b:s8+s2] =	stream.indirect_vreg.scatter [tilespmem:s16], [sflag:$0x2], $0x80, v4, vm0, $0xb8;
	[tilespmem:$0x6100] =	vst v63  }
0x51: {  	_ = 	snop  }
0x52: {  	[hbm4b:s3+s2] =	stream.indirect_vreg.scatter [tilespmem:s17], [sflag:$0x2], $0x80, v3, vm0, $0xb8;
	[tilespmem:$0x6100] =	vst v63  }
0x53: {  	_ = 	snop  }
0x54: {  	[hbm4b:s7+s2] =	stream.indirect_vreg.scatter [tilespmem:s18], [sflag:$0x2], $0x80, v3, vm0, $0xb8;
	[tilespmem:$0x6100] =	vst v63  }
0x55: {  	_ = 	snop  }
0x56: {  	[hbm4b:s8+s2] =	stream.indirect_vreg.scatter [tilespmem:s19], [sflag:$0x2], $0x80, v3, vm0, $0xb8;
	[tilespmem:$0x6100] =	vst v63  }
0x57: {  	v3 =	vld [tilespmem:$0x6090];
	_ =	sdelay $0x4  }
0x58: {  	v63 =	vshrl.u32 v3, $0x3  }
0x59: {  	v4 =	vmul.u32 $0x30, v63  }
0x5a: {  	v3 =	vand.u32 $0x7, v3  }
0x5b: {  	v3 =	vor.u32 v3, v4  }
0x5c: {  	v4 =	vperm.xlane v3, v0;
	_ =	sdelay $0x1  }
0x5d: {  	v4 =	vadd.s32 v1, v4;
	_ =	sdelay $0x3  }
0x5e: {  	v3 =	vperm.xlane v3, v2  }
0x5f: {  	[hbm4b:s3+s2] =	stream.indirect_vreg.scatter [tilespmem:s20], [sflag:$0x2], $0x80, v4, vm0, $0xb8;
	[tilespmem:$0x6100] =	vst v63  }
0x60: {  	v3 =	vadd.s32 v1, v3  }
0x61: {  	[hbm4b:s7+s2] =	stream.indirect_vreg.scatter [tilespmem:s21], [sflag:$0x2], $0x80, v4, vm0, $0xb8;
	[tilespmem:$0x6100] =	vst v63  }
0x62: {  	_ = 	snop  }
0x63: {  	[hbm4b:s8+s2] =	stream.indirect_vreg.scatter [tilespmem:s22], [sflag:$0x2], $0x80, v4, vm0, $0xb8;
	[tilespmem:$0x6100] =	vst v63  }
0x64: {  	_ = 	snop  }
0x65: {  	[hbm4b:s3+s2] =	stream.indirect_vreg.scatter [tilespmem:s23], [sflag:$0x2], $0x80, v3, vm0, $0xb8;
	[tilespmem:$0x6100] =	vst v63  }
0x66: {  	_ = 	snop  }
0x67: {  	[hbm4b:s7+s2] =	stream.indirect_vreg.scatter [tilespmem:s24], [sflag:$0x2], $0x80, v3, vm0, $0xb8;
	[tilespmem:$0x6100] =	vst v63  }
0x68: {  	_ = 	snop  }
0x69: {  	[hbm4b:s8+s2] =	stream.indirect_vreg.scatter [tilespmem:s25], [sflag:$0x2], $0x80, v3, vm0, $0xb8;
	[tilespmem:$0x6100] =	vst v63  }
0x6a: {  	p0 =	sne.s32 s9, $0x1;
	_ =	swait.ge [sflag:s12], $0x6000  }
.Ltmp0:
0x6b: {  	[sflag:s12] =	ssyncset.done $0x0;
	(pc) =	sbr.rel @p0 .LBB2_1-.Ltmp0, $4  }
0x6c: {  	[sflag:s12] =	ssyncadd.s32 $0xFFFFA000  }
0x6d: {  	_ =	swait.ge [sflag:s13], $0x6000  }
0x6e: {  	[sflag:s13] =	ssyncset.done $0x0  }
0x6f: {  	s9 =	sadd.s32 $0xFFFFFFFF, s9;
	[sflag:s13] =	ssyncadd.s32 $0xFFFFA000  }
0x70: {  	_ =	sfence.sel $0x180000  }
0x71: {  	[bflag:$0x0] =	sbarrier.arrive $0xFFFF  }
0x72: {  	p0 =	sne.s32 s1, $0x0;
	_ =	strace $0x90000047  }
0x73: {  	s0 =	sadd.s32 @!p0 $0x100000, s0;
	[bflag:$0x2] =	sbarrier.arrive $0xFFFF  }
0x74: {  	[sflag:s0] =	ssyncadd.tile.s32 @!p0 $0x1;
	_ =	shalt  }
.Lfunc_end2:
_tile_overlayer_lowered:
.L_overlay_start_2:
0x75: {  	(tag) =	ssettag $0x2  }
0x76: {  	s0 =	rddreg [dreg:$0x0];
	s2 =	stileid.u32  }
0x77: {  	s1 =	rddreg [dreg:$0x1];
	p0 =	sne.s32 s2, $0x0  }
0x78: {  	s3 =	rddreg [dreg:$0x2];
	[bflag:$0x3] =	sbarrier.arrive $0xFFFF;
	s2 =	simm.s32 @!p0 $0x1C04  }
0x79: {  	[timem:s3], [sflag:s2] =	dma.local @!p0 [hbm:s0], s1  }
0x7a: {  	s0 =	simm.s32 @!p0 $0x4  }
0x7b: {  	_ =	swait.ge @!p0 [sflag:s0], s1  }
0x7c: {  	s1 =	ssub.s32 @!p0 $0x0, s1;
	[sflag:s0] =	ssyncset.done @!p0 $0x0  }
0x7d: {  	[sflag:s0] =	ssyncadd.s32 @!p0 s1  }
0x7e: {  	[bflag:$0x3] =	sbarrier.arrive $0xFFFF  }
0x7f: {  	_ =	shalt  }

</sc_bundles>
